<compile_context>
chip_gen: v7x
topology: tpu7x:2x2x1
jax: 0.10.2.dev20260603
libtpu: 0.0.44.dev20260713+nightly
codegen_flags: <defaults>
</compile_context>

<pallas_src>
import functools

import jax
import jax.numpy as jnp
from jax import lax
from jax.experimental import pallas as pl
from jax.experimental.pallas import tpu as pltpu
from jax.experimental.pallas import tpu_sc as plsc

N = 10000
E = 320000
D = 128
NC, NS = 2, 16
NW = NC * NS
C = 100
CHUNKS = E // (NW * C)
RPS = 632
RPS_LAST = N - (NS - 1) * RPS
DEGW = 16

_MESH = plsc.VectorSubcoreMesh(core_axis_name="c", subcore_axis_name="s")



def _sc_degree(dstr, ones, zeros16):

    @functools.partial(
        pl.kernel,
        mesh=_MESH,
        out_type=jax.ShapeDtypeStruct((NC, N, DEGW), jnp.float32),
        scratch_types=[
            pltpu.VMEM((CHUNKS, C), jnp.int32),
            pltpu.VMEM((C, DEGW), jnp.float32),
            pltpu.VMEM_SHARED((N, DEGW), jnp.float32),
        ],
    )
    def k(dstr_hbm, ones_hbm, zeros_hbm, out_hbm, dst_idx, ones_v, acc):
        cid = lax.axis_index("c")
        sid = lax.axis_index("s")
        wid = sid * NC + cid
        pltpu.sync_copy(dstr_hbm.at[wid], dst_idx)
        pltpu.sync_copy(ones_hbm, ones_v)
        r0 = sid * RPS

        @pl.when(sid < NS - 1)
        def _():
            pltpu.sync_copy(zeros_hbm.at[pl.ds(r0, RPS)],
                            acc.at[pl.ds(r0, RPS)])

        @pl.when(sid == NS - 1)
        def _():
            pltpu.sync_copy(zeros_hbm.at[pl.ds(r0, RPS_LAST)],
                            acc.at[pl.ds(r0, RPS_LAST)])

        plsc.subcore_barrier()

        def body(j, carry):
            pltpu.sync_copy(ones_v, acc.at[dst_idx.at[j]], add=True)
            return carry

        lax.fori_loop(0, CHUNKS, body, 0)
        plsc.subcore_barrier()

        @pl.when(sid < NS - 1)
        def _():
            pltpu.sync_copy(acc.at[pl.ds(r0, RPS)],
                            out_hbm.at[cid, pl.ds(r0, RPS)])

        @pl.when(sid == NS - 1)
        def _():
            pltpu.sync_copy(acc.at[pl.ds(r0, RPS_LAST)],
                            out_hbm.at[cid, pl.ds(r0, RPS_LAST)])

    return k(dstr, ones, zeros16)


def _sc_edge_apply(y, srcr, dstr, zeros):

    @functools.partial(
        pl.kernel,
        mesh=_MESH,
        out_type=jax.ShapeDtypeStruct((NC, N, D), jnp.float32),
        scratch_types=[
            pltpu.VMEM((CHUNKS, C), jnp.int32),
            pltpu.VMEM((CHUNKS, C), jnp.int32),
            pltpu.VMEM((C, D), jnp.float32),
            pltpu.VMEM_SHARED((N, D), jnp.float32),
        ],
    )
    def k(y_hbm, srcr_hbm, dstr_hbm, zeros_hbm, out_hbm,
          src_idx, dst_idx, rows_v, acc):
        cid = lax.axis_index("c")
        sid = lax.axis_index("s")
        wid = sid * NC + cid
        pltpu.sync_copy(srcr_hbm.at[wid], src_idx)
        pltpu.sync_copy(dstr_hbm.at[wid], dst_idx)
        r0 = sid * RPS

        @pl.when(sid < NS - 1)
        def _():
            pltpu.sync_copy(zeros_hbm.at[pl.ds(r0, RPS)],
                            acc.at[pl.ds(r0, RPS)])

        @pl.when(sid == NS - 1)
        def _():
            pltpu.sync_copy(zeros_hbm.at[pl.ds(r0, RPS_LAST)],
                            acc.at[pl.ds(r0, RPS_LAST)])

        plsc.subcore_barrier()

        def body(j, carry):
            pltpu.sync_copy(y_hbm.at[src_idx.at[j]], rows_v)
            pltpu.sync_copy(rows_v, acc.at[dst_idx.at[j]], add=True)
            return carry

        lax.fori_loop(0, CHUNKS, body, 0)
        plsc.subcore_barrier()

        @pl.when(sid < NS - 1)
        def _():
            pltpu.sync_copy(acc.at[pl.ds(r0, RPS)],
                            out_hbm.at[cid, pl.ds(r0, RPS)])

        @pl.when(sid == NS - 1)
        def _():
            pltpu.sync_copy(acc.at[pl.ds(r0, RPS_LAST)],
                            out_hbm.at[cid, pl.ds(r0, RPS_LAST)])

    return k(y, srcr, dstr, zeros)



_TM = 2000


def _tc_prepare(degp, h):

    def body(degp_ref, h_ref, y1_ref, dinv_ref):
        deg = degp_ref[0] + degp_ref[1] + 1.0
        dinv = lax.rsqrt(deg)
        dinv_ref[...] = dinv
        y1_ref[...] = dinv[:, 0:1] * h_ref[...]

    return pl.pallas_call(
        body,
        grid=(N // _TM,),
        in_specs=[
            pl.BlockSpec((NC, _TM, DEGW), lambda i: (0, i, 0)),
            pl.BlockSpec((_TM, D), lambda i: (i, 0)),
        ],
        out_specs=[
            pl.BlockSpec((_TM, D), lambda i: (i, 0)),
            pl.BlockSpec((_TM, DEGW), lambda i: (i, 0)),
        ],
        out_shape=[
            jax.ShapeDtypeStruct((N, D), jnp.float32),
            jax.ShapeDtypeStruct((N, DEGW), jnp.float32),
        ],
    )(degp, h)


def _tc_mid(zp, y1, dinv16, W1c, b1c):

    def body(zp_ref, y1_ref, dinv_ref, w_ref, b_ref, y2_ref):
        dinv = dinv_ref[:, 0:1]
        zz = dinv * (zp_ref[0] + zp_ref[1] + y1_ref[...])
        t = jnp.maximum(
            lax.dot_general(zz, w_ref[...], (((1,), (0,)), ((), ())),
                            preferred_element_type=jnp.float32)
            + b_ref[...], 0.0)
        y2_ref[...] = dinv * t

    return pl.pallas_call(
        body,
        grid=(N // _TM,),
        in_specs=[
            pl.BlockSpec((NC, _TM, D), lambda i: (0, i, 0)),
            pl.BlockSpec((_TM, D), lambda i: (i, 0)),
            pl.BlockSpec((_TM, DEGW), lambda i: (i, 0)),
            pl.BlockSpec((D, D), lambda i: (0, 0)),
            pl.BlockSpec((1, D), lambda i: (0, 0)),
        ],
        out_specs=pl.BlockSpec((_TM, D), lambda i: (i, 0)),
        out_shape=jax.ShapeDtypeStruct((N, D), jnp.float32),
    )(zp, y1, dinv16, W1c, b1c)


def _tc_out(zp, y2, dinv16, aW2, ab2, sW2, sb2):

    def body(zp_ref, y2_ref, dinv_ref, aw_ref, ab_ref, sw_ref, sb_ref,
             x_ref, h_ref):
        dinv = dinv_ref[:, 0:1]
        au = dinv * (zp_ref[0] + zp_ref[1] + y2_ref[...])
        x_ref[...] = lax.dot_general(
            au[:, :64], aw_ref[...], (((1,), (0,)), ((), ())),
            preferred_element_type=jnp.float32) + ab_ref[...]
        h_ref[...] = lax.dot_general(
            au[:, 64:], sw_ref[...], (((1,), (0,)), ((), ())),
            preferred_element_type=jnp.float32) + sb_ref[...]

    return pl.pallas_call(
        body,
        grid=(N // _TM,),
        in_specs=[
            pl.BlockSpec((NC, _TM, D), lambda i: (0, i, 0)),
            pl.BlockSpec((_TM, D), lambda i: (i, 0)),
            pl.BlockSpec((_TM, DEGW), lambda i: (i, 0)),
            pl.BlockSpec((64, D), lambda i: (0, 0)),
            pl.BlockSpec((1, D), lambda i: (0, 0)),
            pl.BlockSpec((64, D), lambda i: (0, 0)),
            pl.BlockSpec((1, D), lambda i: (0, 0)),
        ],
        out_specs=[
            pl.BlockSpec((_TM, D), lambda i: (i, 0)),
            pl.BlockSpec((_TM, D), lambda i: (i, 0)),
        ],
        out_shape=[
            jax.ShapeDtypeStruct((N, D), jnp.float32),
            jax.ShapeDtypeStruct((N, D), jnp.float32),
        ],
    )(zp, y2, dinv16, aW2, ab2, sW2, sb2)


_SM = 1024


def _tc_gram(h_):

    def body(a_ref, b_ref, o_ref):
        o_ref[...] = lax.dot_general(
            a_ref[...], b_ref[...], (((1,), (1,)), ((), ())),
            preferred_element_type=jnp.float32)

    g = pl.cdiv(N, _SM)
    return pl.pallas_call(
        body,
        grid=(g, g),
        in_specs=[
            pl.BlockSpec((_SM, D), lambda i, j: (i, 0)),
            pl.BlockSpec((_SM, D), lambda i, j: (j, 0)),
        ],
        out_specs=pl.BlockSpec((_SM, _SM), lambda i, j: (i, j)),
        out_shape=jax.ShapeDtypeStruct((N, N), jnp.float32),
    )(h_, h_)



def kernel(h, edge_index, aW1, ab1, aW2, ab2, sW1, sb1, sW2, sb2):
    srcr = edge_index[0].reshape(NW, CHUNKS, C)
    dstr = edge_index[1].reshape(NW, CHUNKS, C)
    zeros = jnp.zeros((N, D), jnp.float32)
    zeros16 = jnp.zeros((N, DEGW), jnp.float32)
    ones = jnp.ones((C, DEGW), jnp.float32)
    W1c = jnp.concatenate([aW1, sW1], axis=1)
    b1c = jnp.concatenate([ab1, sb1]).reshape(1, D)

    degp = _sc_degree(dstr, ones, zeros16)
    y1, dinv16 = _tc_prepare(degp, h)
    z1p = _sc_edge_apply(y1, srcr, dstr, zeros)
    y2 = _tc_mid(z1p, y1, dinv16, W1c, b1c)
    z2p = _sc_edge_apply(y2, srcr, dstr, zeros)
    x_, h_ = _tc_out(z2p, y2, dinv16, aW2, ab2.reshape(1, D),
                     sW2, sb2.reshape(1, D))
    s_ = _tc_gram(h_)
    return (x_, s_, h)

# --- scband reference (transcript-rebuilt; emitter-appended) ---
"""Pipeline reference for scband-reconstruction-loss-10127532884154 (READ-ONLY COPY).

The authoritative reference and input builder live on the scoring server;
editing this copy changes nothing except your own understanding.
"""

import jax, jax.numpy as jnp
import numpy as np

N = 10000
E = 320000
IN_DIM = 128
HID_DIM = 64
OUT_DIM = 128


def _glorot(key, shape):
    fan_in, fan_out = shape
    std = np.sqrt(2.0 / (fan_in + fan_out))
    return jax.random.normal(key, shape, dtype=jnp.float32) * std


def setup_inputs(seed: int = 0) -> dict:
    key = jax.random.key(seed)
    ks = jax.random.split(key, 8)
    h = jax.random.normal(ks[0], (N, IN_DIM), dtype=jnp.float32)
    edge_index = jax.random.randint(ks[1], (2, E), 0, N, dtype=jnp.int32)
    aW1 = _glorot(ks[2], (IN_DIM, HID_DIM))
    ab1 = jnp.zeros((HID_DIM,), dtype=jnp.float32)
    aW2 = _glorot(ks[3], (HID_DIM, OUT_DIM))
    ab2 = jnp.zeros((OUT_DIM,), dtype=jnp.float32)
    sW1 = _glorot(ks[4], (IN_DIM, HID_DIM))
    sb1 = jnp.zeros((HID_DIM,), dtype=jnp.float32)
    sW2 = _glorot(ks[5], (HID_DIM, OUT_DIM))
    sb2 = jnp.zeros((OUT_DIM,), dtype=jnp.float32)
    return {"h": h, "edge_index": edge_index,
            "aW1": aW1, "ab1": ab1, "aW2": aW2, "ab2": ab2,
            "sW1": sW1, "sb1": sb1, "sW2": sW2, "sb2": sb2}


def _gcn_norm(edge_index):
    # GCNConv default: add self loops + symmetric normalization D^-1/2 (A+I) D^-1/2
    loop = jnp.arange(N, dtype=edge_index.dtype)
    src = jnp.concatenate([edge_index[0], loop])
    dst = jnp.concatenate([edge_index[1], loop])
    deg = jax.ops.segment_sum(jnp.ones(src.shape[0], dtype=jnp.float32), dst, num_segments=N)
    dinv = jnp.where(deg > 0, 1.0 / jnp.sqrt(deg), 0.0)
    norm = dinv[src] * dinv[dst]
    return src, dst, norm


def _gcn_conv(x, src, dst, norm, W, b):
    xw = x @ W
    msg = jnp.take(xw, src, axis=0) * norm[:, None]
    out = jax.ops.segment_sum(msg, dst, num_segments=N)
    return out + b


def _gcn_2layer(x, src, dst, norm, W1, b1, W2, b2):
    # PyG GCN with num_layers=2: conv -> act (dropout=0.0, eval mode) -> conv
    out = _gcn_conv(x, src, dst, norm, W1, b1)
    out = jax.nn.relu(out)
    out = _gcn_conv(out, src, dst, norm, W2, b2)
    return out


def reference(h, edge_index, aW1, ab1, aW2, ab2, sW1, sb1, sW2, sb2):
    src, dst, norm = _gcn_norm(edge_index)
    x_ = _gcn_2layer(h, src, dst, norm, aW1, ab1, aW2, ab2)
    h_ = _gcn_2layer(h, src, dst, norm, sW1, sb1, sW2, sb2)
    s_ = h_ @ h_.T
    return (x_, s_, h)

if __name__ == "__main__":
    import jax
    _d = setup_inputs()
    print(jax.jit(kernel)(*tuple(_d.values())))

</pallas_src>

<mosaic_0001>
#map = affine_map<(d0, d1) -> (0, 0, 0)>
#map1 = affine_map<(d0, d1) -> (0, 0)>
module attributes {stable_mosaic.version = 14 : i64} {
  func.func @k(%arg0: i32, %arg1: i32, %arg2: memref<32x100x100xi32, #tpu.memory_space<hbm>>, %arg3: memref<100x16xf32, #tpu.memory_space<hbm>>, %arg4: memref<10000x16xf32, #tpu.memory_space<hbm>>, %arg5: memref<2x10000x16xf32, #tpu.memory_space<hbm>>, %arg6: memref<100x100xi32, #tpu.memory_space<vmem>>, %arg7: memref<100x16xf32, #tpu.memory_space<vmem>>, %arg8: memref<10000x16xf32, #tpu.memory_space<vmem_shared>>) attributes {dimension_semantics = [#tpu.dimension_semantics<core_parallel>, #tpu.dimension_semantics<subcore_parallel>], iteration_bounds = array<i64: 2, 16>, scalar_prefetch = 0 : i64, scratch_operands = 3 : i64, tpu.core_type = #tpu.core_type<sc_vector_subcore>, window_params = [{transform_indices = #map}, {transform_indices = #map1}, {transform_indices = #map1}, {transform_indices = #map}]} {
    %mul3A = arith.constant 2 : i32
    %mul3A_0 = arith.muli %arg1, %mul3A : i32
    %add3A = arith.addi %mul3A_0, %arg0 : i32
    "tpu.region"() ({
      %run_scoped3A = tpu.sem_alloc : memref<!tpu.dma_semaphore, #tpu.memory_space<semaphore_mem>>
      %dma_start3A = arith.constant 0 : i32
      %dma_start3A_25 = arith.constant 0 : i32
      %dma_start3A_26 = tpu.memref_slice %arg2[%add3A, %dma_start3A, %dma_start3A_25] : memref<32x100x100xi32, #tpu.memory_space<hbm>> -> memref<1x100x100xi32, #tpu.memory_space<hbm>>
      %dma_start3A_27 = tpu.memref_squeeze %dma_start3A_26 : memref<1x100x100xi32, #tpu.memory_space<hbm>> -> memref<100x100xi32, #tpu.memory_space<hbm>>
      %dma_start3A_28 = arith.constant 0 : i32
      %dma_start3A_29 = arith.constant 0 : i32
      %dma_start3A_30 = tpu.memref_slice %arg2[%add3A, %dma_start3A_28, %dma_start3A_29] : memref<32x100x100xi32, #tpu.memory_space<hbm>> -> memref<1x100x100xi32, #tpu.memory_space<hbm>>
      %dma_start3A_31 = tpu.memref_squeeze %dma_start3A_30 : memref<1x100x100xi32, #tpu.memory_space<hbm>> -> memref<100x100xi32, #tpu.memory_space<hbm>>
      tpu.enqueue_dma source(%dma_start3A_31 : memref<100x100xi32, #tpu.memory_space<hbm>>) target(%arg6 : memref<100x100xi32, #tpu.memory_space<vmem>>) target_semaphore(%run_scoped3A : memref<!tpu.dma_semaphore, #tpu.memory_space<semaphore_mem>>)
      %dma_wait3A = arith.constant 0 : i32
      %dma_wait3A_32 = arith.constant 0 : i32
      %dma_wait3A_33 = tpu.memref_slice %arg2[%add3A, %dma_wait3A, %dma_wait3A_32] : memref<32x100x100xi32, #tpu.memory_space<hbm>> -> memref<1x100x100xi32, #tpu.memory_space<hbm>>
      %dma_wait3A_34 = tpu.memref_squeeze %dma_wait3A_33 : memref<1x100x100xi32, #tpu.memory_space<hbm>> -> memref<100x100xi32, #tpu.memory_space<hbm>>
      %dma_wait3A_35 = arith.constant 0 : i32
      %dma_wait3A_36 = arith.constant 0 : i32
      %dma_wait3A_37 = tpu.memref_slice %arg2[%add3A, %dma_wait3A_35, %dma_wait3A_36] : memref<32x100x100xi32, #tpu.memory_space<hbm>> -> memref<1x100x100xi32, #tpu.memory_space<hbm>>
      %dma_wait3A_38 = tpu.memref_squeeze %dma_wait3A_37 : memref<1x100x100xi32, #tpu.memory_space<hbm>> -> memref<100x100xi32, #tpu.memory_space<hbm>>
      tpu.wait_dma2 semaphore(%run_scoped3A : memref<!tpu.dma_semaphore, #tpu.memory_space<semaphore_mem>>) src(%dma_wait3A_38 : memref<100x100xi32, #tpu.memory_space<hbm>>) dst(%arg6 : memref<100x100xi32, #tpu.memory_space<vmem>>)
      tpu.yield
    }) : () -> ()
    "tpu.region"() ({
      %run_scoped3A = tpu.sem_alloc : memref<!tpu.dma_semaphore, #tpu.memory_space<semaphore_mem>>
      tpu.enqueue_dma source(%arg3 : memref<100x16xf32, #tpu.memory_space<hbm>>) target(%arg7 : memref<100x16xf32, #tpu.memory_space<vmem>>) target_semaphore(%run_scoped3A : memref<!tpu.dma_semaphore, #tpu.memory_space<semaphore_mem>>)
      tpu.wait_dma2 semaphore(%run_scoped3A : memref<!tpu.dma_semaphore, #tpu.memory_space<semaphore_mem>>) src(%arg3 : memref<100x16xf32, #tpu.memory_space<hbm>>) dst(%arg7 : memref<100x16xf32, #tpu.memory_space<vmem>>)
      tpu.yield
    }) : () -> ()
    %mul3A_1 = arith.constant 632 : i32
    %mul3A_2 = arith.muli %arg1, %mul3A_1 : i32
    %lt3A = arith.constant 15 : i32
    %lt3A_3 = arith.cmpi slt, %arg1, %lt3A : i32
    %convert_element_type3A = arith.extui %lt3A_3 : i1 to i32
    %cond3A = arith.constant 0 : i32
    %cond3A_4 = arith.cmpi ne, %convert_element_type3A, %cond3A : i32
    scf.if %cond3A_4 {
      "tpu.region"() ({
        %run_scoped3A = tpu.sem_alloc : memref<!tpu.dma_semaphore, #tpu.memory_space<semaphore_mem>>
        %dma_start3A = arith.constant 0 : i32
        %dma_start3A_25 = tpu.memref_slice %arg8[%mul3A_2, %dma_start3A] : memref<10000x16xf32, #tpu.memory_space<vmem_shared>> -> memref<632x16xf32, #tpu.memory_space<vmem_shared>>
        %dma_start3A_26 = arith.constant 0 : i32
        %dma_start3A_27 = tpu.memref_slice %arg4[%mul3A_2, %dma_start3A_26] : memref<10000x16xf32, #tpu.memory_space<hbm>> -> memref<632x16xf32, #tpu.memory_space<hbm>>
        tpu.enqueue_dma source(%dma_start3A_27 : memref<632x16xf32, #tpu.memory_space<hbm>>) target(%dma_start3A_25 : memref<632x16xf32, #tpu.memory_space<vmem_shared>>) target_semaphore(%run_scoped3A : memref<!tpu.dma_semaphore, #tpu.memory_space<semaphore_mem>>)
        %dma_wait3A = arith.constant 0 : i32
        %dma_wait3A_28 = tpu.memref_slice %arg8[%mul3A_2, %dma_wait3A] : memref<10000x16xf32, #tpu.memory_space<vmem_shared>> -> memref<632x16xf32, #tpu.memory_space<vmem_shared>>
        %dma_wait3A_29 = arith.constant 0 : i32
        %dma_wait3A_30 = tpu.memref_slice %arg4[%mul3A_2, %dma_wait3A_29] : memref<10000x16xf32, #tpu.memory_space<hbm>> -> memref<632x16xf32, #tpu.memory_space<hbm>>
        tpu.wait_dma2 semaphore(%run_scoped3A : memref<!tpu.dma_semaphore, #tpu.memory_space<semaphore_mem>>) src(%dma_wait3A_30 : memref<632x16xf32, #tpu.memory_space<hbm>>) dst(%dma_wait3A_28 : memref<632x16xf32, #tpu.memory_space<vmem_shared>>)
        tpu.yield
      }) : () -> ()
    } else {
    }
    %eq3A = arith.constant 15 : i32
    %eq3A_5 = arith.cmpi eq, %arg1, %eq3A : i32
    %convert_element_type3A_6 = arith.extui %eq3A_5 : i1 to i32
    %cond3A_7 = arith.constant 0 : i32
    %cond3A_8 = arith.cmpi ne, %convert_element_type3A_6, %cond3A_7 : i32
    scf.if %cond3A_8 {
      "tpu.region"() ({
        %run_scoped3A = tpu.sem_alloc : memref<!tpu.dma_semaphore, #tpu.memory_space<semaphore_mem>>
        %dma_start3A = arith.constant 0 : i32
        %dma_start3A_25 = tpu.memref_slice %arg8[%mul3A_2, %dma_start3A] : memref<10000x16xf32, #tpu.memory_space<vmem_shared>> -> memref<520x16xf32, #tpu.memory_space<vmem_shared>>
        %dma_start3A_26 = arith.constant 0 : i32
        %dma_start3A_27 = tpu.memref_slice %arg4[%mul3A_2, %dma_start3A_26] : memref<10000x16xf32, #tpu.memory_space<hbm>> -> memref<520x16xf32, #tpu.memory_space<hbm>>
        tpu.enqueue_dma source(%dma_start3A_27 : memref<520x16xf32, #tpu.memory_space<hbm>>) target(%dma_start3A_25 : memref<520x16xf32, #tpu.memory_space<vmem_shared>>) target_semaphore(%run_scoped3A : memref<!tpu.dma_semaphore, #tpu.memory_space<semaphore_mem>>)
        %dma_wait3A = arith.constant 0 : i32
        %dma_wait3A_28 = tpu.memref_slice %arg8[%mul3A_2, %dma_wait3A] : memref<10000x16xf32, #tpu.memory_space<vmem_shared>> -> memref<520x16xf32, #tpu.memory_space<vmem_shared>>
        %dma_wait3A_29 = arith.constant 0 : i32
        %dma_wait3A_30 = tpu.memref_slice %arg4[%mul3A_2, %dma_wait3A_29] : memref<10000x16xf32, #tpu.memory_space<hbm>> -> memref<520x16xf32, #tpu.memory_space<hbm>>
        tpu.wait_dma2 semaphore(%run_scoped3A : memref<!tpu.dma_semaphore, #tpu.memory_space<semaphore_mem>>) src(%dma_wait3A_30 : memref<520x16xf32, #tpu.memory_space<hbm>>) dst(%dma_wait3A_28 : memref<520x16xf32, #tpu.memory_space<vmem_shared>>)
        tpu.yield
      }) : () -> ()
    } else {
    }
    %barrier3A = arith.constant 0 : index
    tpu.barrier barrier_id(%barrier3A)
    %scan3A = arith.constant 0 : i32
    %scan3A_9 = arith.constant 0 : i32
    %scan3A_10 = arith.constant 100 : i32
    %scan3A_11 = arith.addi %scan3A_9, %scan3A_10 : i32
    %scan3A_12 = arith.constant 1 : i32
    scf.for %scan3A_25 = %scan3A_9 to %scan3A_11 step %scan3A_12  : i32 {
      "tpu.region"() ({
        %run_scoped3A = tpu.sem_alloc : memref<!tpu.dma_semaphore, #tpu.memory_space<semaphore_mem>>
        %dma_start3A = arith.constant 0 : i32
        %dma_start3A_26 = tpu.memref_slice %arg6[%scan3A_25, %dma_start3A] : memref<100x100xi32, #tpu.memory_space<vmem>> -> memref<1x100xi32, #tpu.memory_space<vmem>>
        %dma_start3A_27 = tpu.memref_squeeze %dma_start3A_26 : memref<1x100xi32, #tpu.memory_space<vmem>> -> memref<100xi32, #tpu.memory_space<vmem>>
        %dma_start3A_28 = arith.constant 0 : i32
        %dma_start3A_29 = arith.constant 0 : i32
        %dma_start3A_30 = tpu.memref_slice %arg8[%dma_start3A_28, %dma_start3A_29] : memref<10000x16xf32, #tpu.memory_space<vmem_shared>> -> memref<10000x16xf32, #tpu.memory_space<vmem_shared>>
        tpu.enqueue_indirect_dma source(%arg7 : memref<100x16xf32, #tpu.memory_space<vmem>>) target(%dma_start3A_30 : memref<10000x16xf32, #tpu.memory_space<vmem_shared>>) offsets(%dma_start3A_27 : memref<100xi32, #tpu.memory_space<vmem>>) semaphore(%run_scoped3A : memref<!tpu.dma_semaphore, #tpu.memory_space<semaphore_mem>>) {add = true}
        %dma_wait3A = arith.constant 0 : i32
        %dma_wait3A_31 = tpu.memref_slice %arg6[%scan3A_25, %dma_wait3A] : memref<100x100xi32, #tpu.memory_space<vmem>> -> memref<1x100xi32, #tpu.memory_space<vmem>>
        %dma_wait3A_32 = tpu.memref_squeeze %dma_wait3A_31 : memref<1x100xi32, #tpu.memory_space<vmem>> -> memref<100xi32, #tpu.memory_space<vmem>>
        %dma_wait3A_33 = arith.constant 0 : i32
        %dma_wait3A_34 = arith.constant 0 : i32
        %dma_wait3A_35 = tpu.memref_slice %arg8[%dma_wait3A_33, %dma_wait3A_34] : memref<10000x16xf32, #tpu.memory_space<vmem_shared>> -> memref<10000x16xf32, #tpu.memory_space<vmem_shared>>
        tpu.wait_indirect_dma semaphore(%run_scoped3A : memref<!tpu.dma_semaphore, #tpu.memory_space<semaphore_mem>>) src(%arg7 : memref<100x16xf32, #tpu.memory_space<vmem>>) dst(%dma_wait3A_35 : memref<10000x16xf32, #tpu.memory_space<vmem_shared>>)
        tpu.yield
      }) : () -> ()
    }
    %scan3A_13 = arith.constant 100 : i32
    %barrier3A_14 = arith.constant 0 : index
    tpu.barrier barrier_id(%barrier3A_14)
    %lt3A_15 = arith.constant 15 : i32
    %lt3A_16 = arith.cmpi slt, %arg1, %lt3A_15 : i32
    %convert_element_type3A_17 = arith.extui %lt3A_16 : i1 to i32
    %cond3A_18 = arith.constant 0 : i32
    %cond3A_19 = arith.cmpi ne, %convert_element_type3A_17, %cond3A_18 : i32
    scf.if %cond3A_19 {
      "tpu.region"() ({
        %run_scoped3A = tpu.sem_alloc : memref<!tpu.dma_semaphore, #tpu.memory_space<semaphore_mem>>
        %dma_start3A = arith.constant 0 : i32
        %dma_start3A_25 = tpu.memref_slice %arg5[%arg0, %mul3A_2, %dma_start3A] : memref<2x10000x16xf32, #tpu.memory_space<hbm>> -> memref<1x632x16xf32, #tpu.memory_space<hbm>>
        %dma_start3A_26 = tpu.memref_squeeze %dma_start3A_25 : memref<1x632x16xf32, #tpu.memory_space<hbm>> -> memref<632x16xf32, #tpu.memory_space<hbm>>
        %dma_start3A_27 = arith.constant 0 : i32
        %dma_start3A_28 = tpu.memref_slice %arg8[%mul3A_2, %dma_start3A_27] : memref<10000x16xf32, #tpu.memory_space<vmem_shared>> -> memref<632x16xf32, #tpu.memory_space<vmem_shared>>
        tpu.enqueue_dma source(%dma_start3A_28 : memref<632x16xf32, #tpu.memory_space<vmem_shared>>) target(%dma_start3A_26 : memref<632x16xf32, #tpu.memory_space<hbm>>) target_semaphore(%run_scoped3A : memref<!tpu.dma_semaphore, #tpu.memory_space<semaphore_mem>>)
        %dma_wait3A = arith.constant 0 : i32
        %dma_wait3A_29 = tpu.memref_slice %arg5[%arg0, %mul3A_2, %dma_wait3A] : memref<2x10000x16xf32, #tpu.memory_space<hbm>> -> memref<1x632x16xf32, #tpu.memory_space<hbm>>
        %dma_wait3A_30 = tpu.memref_squeeze %dma_wait3A_29 : memref<1x632x16xf32, #tpu.memory_space<hbm>> -> memref<632x16xf32, #tpu.memory_space<hbm>>
        %dma_wait3A_31 = arith.constant 0 : i32
        %dma_wait3A_32 = tpu.memref_slice %arg8[%mul3A_2, %dma_wait3A_31] : memref<10000x16xf32, #tpu.memory_space<vmem_shared>> -> memref<632x16xf32, #tpu.memory_space<vmem_shared>>
        tpu.wait_dma2 semaphore(%run_scoped3A : memref<!tpu.dma_semaphore, #tpu.memory_space<semaphore_mem>>) src(%dma_wait3A_32 : memref<632x16xf32, #tpu.memory_space<vmem_shared>>) dst(%dma_wait3A_30 : memref<632x16xf32, #tpu.memory_space<hbm>>)
        tpu.yield
      }) : () -> ()
    } else {
    }
    %eq3A_20 = arith.constant 15 : i32
    %eq3A_21 = arith.cmpi eq, %arg1, %eq3A_20 : i32
    %convert_element_type3A_22 = arith.extui %eq3A_21 : i1 to i32
    %cond3A_23 = arith.constant 0 : i32
    %cond3A_24 = arith.cmpi ne, %convert_element_type3A_22, %cond3A_23 : i32
    scf.if %cond3A_24 {
      "tpu.region"() ({
        %run_scoped3A = tpu.sem_alloc : memref<!tpu.dma_semaphore, #tpu.memory_space<semaphore_mem>>
        %dma_start3A = arith.constant 0 : i32
        %dma_start3A_25 = tpu.memref_slice %arg5[%arg0, %mul3A_2, %dma_start3A] : memref<2x10000x16xf32, #tpu.memory_space<hbm>> -> memref<1x520x16xf32, #tpu.memory_space<hbm>>
        %dma_start3A_26 = tpu.memref_squeeze %dma_start3A_25 : memref<1x520x16xf32, #tpu.memory_space<hbm>> -> memref<520x16xf32, #tpu.memory_space<hbm>>
        %dma_start3A_27 = arith.constant 0 : i32
        %dma_start3A_28 = tpu.memref_slice %arg8[%mul3A_2, %dma_start3A_27] : memref<10000x16xf32, #tpu.memory_space<vmem_shared>> -> memref<520x16xf32, #tpu.memory_space<vmem_shared>>
        tpu.enqueue_dma source(%dma_start3A_28 : memref<520x16xf32, #tpu.memory_space<vmem_shared>>) target(%dma_start3A_26 : memref<520x16xf32, #tpu.memory_space<hbm>>) target_semaphore(%run_scoped3A : memref<!tpu.dma_semaphore, #tpu.memory_space<semaphore_mem>>)
        %dma_wait3A = arith.constant 0 : i32
        %dma_wait3A_29 = tpu.memref_slice %arg5[%arg0, %mul3A_2, %dma_wait3A] : memref<2x10000x16xf32, #tpu.memory_space<hbm>> -> memref<1x520x16xf32, #tpu.memory_space<hbm>>
        %dma_wait3A_30 = tpu.memref_squeeze %dma_wait3A_29 : memref<1x520x16xf32, #tpu.memory_space<hbm>> -> memref<520x16xf32, #tpu.memory_space<hbm>>
        %dma_wait3A_31 = arith.constant 0 : i32
        %dma_wait3A_32 = tpu.memref_slice %arg8[%mul3A_2, %dma_wait3A_31] : memref<10000x16xf32, #tpu.memory_space<vmem_shared>> -> memref<520x16xf32, #tpu.memory_space<vmem_shared>>
        tpu.wait_dma2 semaphore(%run_scoped3A : memref<!tpu.dma_semaphore, #tpu.memory_space<semaphore_mem>>) src(%dma_wait3A_32 : memref<520x16xf32, #tpu.memory_space<vmem_shared>>) dst(%dma_wait3A_30 : memref<520x16xf32, #tpu.memory_space<hbm>>)
        tpu.yield
      }) : () -> ()
    } else {
    }
    return
  }
}

#map = affine_map<(d0, d1) -> (0, 0)>
#map1 = affine_map<(d0, d1) -> (0, 0, 0)>
module attributes {stable_mosaic.version = 14 : i64} {
  func.func @k(%arg0: i32, %arg1: i32, %arg2: memref<10000x128xf32, #tpu.memory_space<hbm>>, %arg3: memref<32x100x100xi32, #tpu.memory_space<hbm>>, %arg4: memref<32x100x100xi32, #tpu.memory_space<hbm>>, %arg5: memref<10000x128xf32, #tpu.memory_space<hbm>>, %arg6: memref<2x10000x128xf32, #tpu.memory_space<hbm>>, %arg7: memref<100x100xi32, #tpu.memory_space<vmem>>, %arg8: memref<100x100xi32, #tpu.memory_space<vmem>>, %arg9: memref<100x128xf32, #tpu.memory_space<vmem>>, %arg10: memref<10000x128xf32, #tpu.memory_space<vmem_shared>>) attributes {dimension_semantics = [#tpu.dimension_semantics<core_parallel>, #tpu.dimension_semantics<subcore_parallel>], iteration_bounds = array<i64: 2, 16>, scalar_prefetch = 0 : i64, scratch_operands = 4 : i64, tpu.core_type = #tpu.core_type<sc_vector_subcore>, window_params = [{transform_indices = #map}, {transform_indices = #map1}, {transform_indices = #map1}, {transform_indices = #map}, {transform_indices = #map1}]} {
    %mul3A = arith.constant 2 : i32
    %mul3A_0 = arith.muli %arg1, %mul3A : i32
    %add3A = arith.addi %mul3A_0, %arg0 : i32
    "tpu.region"() ({
      %run_scoped3A = tpu.sem_alloc : memref<!tpu.dma_semaphore, #tpu.memory_space<semaphore_mem>>
      %dma_start3A = arith.constant 0 : i32
      %dma_start3A_25 = arith.constant 0 : i32
      %dma_start3A_26 = tpu.memref_slice %arg3[%add3A, %dma_start3A, %dma_start3A_25] : memref<32x100x100xi32, #tpu.memory_space<hbm>> -> memref<1x100x100xi32, #tpu.memory_space<hbm>>
      %dma_start3A_27 = tpu.memref_squeeze %dma_start3A_26 : memref<1x100x100xi32, #tpu.memory_space<hbm>> -> memref<100x100xi32, #tpu.memory_space<hbm>>
      %dma_start3A_28 = arith.constant 0 : i32
      %dma_start3A_29 = arith.constant 0 : i32
      %dma_start3A_30 = tpu.memref_slice %arg3[%add3A, %dma_start3A_28, %dma_start3A_29] : memref<32x100x100xi32, #tpu.memory_space<hbm>> -> memref<1x100x100xi32, #tpu.memory_space<hbm>>
      %dma_start3A_31 = tpu.memref_squeeze %dma_start3A_30 : memref<1x100x100xi32, #tpu.memory_space<hbm>> -> memref<100x100xi32, #tpu.memory_space<hbm>>
      tpu.enqueue_dma source(%dma_start3A_31 : memref<100x100xi32, #tpu.memory_space<hbm>>) target(%arg7 : memref<100x100xi32, #tpu.memory_space<vmem>>) target_semaphore(%run_scoped3A : memref<!tpu.dma_semaphore, #tpu.memory_space<semaphore_mem>>)
      %dma_wait3A = arith.constant 0 : i32
      %dma_wait3A_32 = arith.constant 0 : i32
      %dma_wait3A_33 = tpu.memref_slice %arg3[%add3A, %dma_wait3A, %dma_wait3A_32] : memref<32x100x100xi32, #tpu.memory_space<hbm>> -> memref<1x100x100xi32, #tpu.memory_space<hbm>>
      %dma_wait3A_34 = tpu.memref_squeeze %dma_wait3A_33 : memref<1x100x100xi32, #tpu.memory_space<hbm>> -> memref<100x100xi32, #tpu.memory_space<hbm>>
      %dma_wait3A_35 = arith.constant 0 : i32
      %dma_wait3A_36 = arith.constant 0 : i32
      %dma_wait3A_37 = tpu.memref_slice %arg3[%add3A, %dma_wait3A_35, %dma_wait3A_36] : memref<32x100x100xi32, #tpu.memory_space<hbm>> -> memref<1x100x100xi32, #tpu.memory_space<hbm>>
      %dma_wait3A_38 = tpu.memref_squeeze %dma_wait3A_37 : memref<1x100x100xi32, #tpu.memory_space<hbm>> -> memref<100x100xi32, #tpu.memory_space<hbm>>
      tpu.wait_dma2 semaphore(%run_scoped3A : memref<!tpu.dma_semaphore, #tpu.memory_space<semaphore_mem>>) src(%dma_wait3A_38 : memref<100x100xi32, #tpu.memory_space<hbm>>) dst(%arg7 : memref<100x100xi32, #tpu.memory_space<vmem>>)
      tpu.yield
    }) : () -> ()
    "tpu.region"() ({
      %run_scoped3A = tpu.sem_alloc : memref<!tpu.dma_semaphore, #tpu.memory_space<semaphore_mem>>
      %dma_start3A = arith.constant 0 : i32
      %dma_start3A_25 = arith.constant 0 : i32
      %dma_start3A_26 = tpu.memref_slice %arg4[%add3A, %dma_start3A, %dma_start3A_25] : memref<32x100x100xi32, #tpu.memory_space<hbm>> -> memref<1x100x100xi32, #tpu.memory_space<hbm>>
      %dma_start3A_27 = tpu.memref_squeeze %dma_start3A_26 : memref<1x100x100xi32, #tpu.memory_space<hbm>> -> memref<100x100xi32, #tpu.memory_space<hbm>>
      %dma_start3A_28 = arith.constant 0 : i32
      %dma_start3A_29 = arith.constant 0 : i32
      %dma_start3A_30 = tpu.memref_slice %arg4[%add3A, %dma_start3A_28, %dma_start3A_29] : memref<32x100x100xi32, #tpu.memory_space<hbm>> -> memref<1x100x100xi32, #tpu.memory_space<hbm>>
      %dma_start3A_31 = tpu.memref_squeeze %dma_start3A_30 : memref<1x100x100xi32, #tpu.memory_space<hbm>> -> memref<100x100xi32, #tpu.memory_space<hbm>>
      tpu.enqueue_dma source(%dma_start3A_31 : memref<100x100xi32, #tpu.memory_space<hbm>>) target(%arg8 : memref<100x100xi32, #tpu.memory_space<vmem>>) target_semaphore(%run_scoped3A : memref<!tpu.dma_semaphore, #tpu.memory_space<semaphore_mem>>)
      %dma_wait3A = arith.constant 0 : i32
      %dma_wait3A_32 = arith.constant 0 : i32
      %dma_wait3A_33 = tpu.memref_slice %arg4[%add3A, %dma_wait3A, %dma_wait3A_32] : memref<32x100x100xi32, #tpu.memory_space<hbm>> -> memref<1x100x100xi32, #tpu.memory_space<hbm>>
      %dma_wait3A_34 = tpu.memref_squeeze %dma_wait3A_33 : memref<1x100x100xi32, #tpu.memory_space<hbm>> -> memref<100x100xi32, #tpu.memory_space<hbm>>
      %dma_wait3A_35 = arith.constant 0 : i32
      %dma_wait3A_36 = arith.constant 0 : i32
      %dma_wait3A_37 = tpu.memref_slice %arg4[%add3A, %dma_wait3A_35, %dma_wait3A_36] : memref<32x100x100xi32, #tpu.memory_space<hbm>> -> memref<1x100x100xi32, #tpu.memory_space<hbm>>
      %dma_wait3A_38 = tpu.memref_squeeze %dma_wait3A_37 : memref<1x100x100xi32, #tpu.memory_space<hbm>> -> memref<100x100xi32, #tpu.memory_space<hbm>>
      tpu.wait_dma2 semaphore(%run_scoped3A : memref<!tpu.dma_semaphore, #tpu.memory_space<semaphore_mem>>) src(%dma_wait3A_38 : memref<100x100xi32, #tpu.memory_space<hbm>>) dst(%arg8 : memref<100x100xi32, #tpu.memory_space<vmem>>)
      tpu.yield
    }) : () -> ()
    %mul3A_1 = arith.constant 632 : i32
    %mul3A_2 = arith.muli %arg1, %mul3A_1 : i32
    %lt3A = arith.constant 15 : i32
    %lt3A_3 = arith.cmpi slt, %arg1, %lt3A : i32
    %convert_element_type3A = arith.extui %lt3A_3 : i1 to i32
    %cond3A = arith.constant 0 : i32
    %cond3A_4 = arith.cmpi ne, %convert_element_type3A, %cond3A : i32
    scf.if %cond3A_4 {
      "tpu.region"() ({
        %run_scoped3A = tpu.sem_alloc : memref<!tpu.dma_semaphore, #tpu.memory_space<semaphore_mem>>
        %dma_start3A = arith.constant 0 : i32
        %dma_start3A_25 = tpu.memref_slice %arg10[%mul3A_2, %dma_start3A] : memref<10000x128xf32, #tpu.memory_space<vmem_shared>> -> memref<632x128xf32, #tpu.memory_space<vmem_shared>>
        %dma_start3A_26 = arith.constant 0 : i32
        %dma_start3A_27 = tpu.memref_slice %arg5[%mul3A_2, %dma_start3A_26] : memref<10000x128xf32, #tpu.memory_space<hbm>> -> memref<632x128xf32, #tpu.memory_space<hbm>>
        tpu.enqueue_dma source(%dma_start3A_27 : memref<632x128xf32, #tpu.memory_space<hbm>>) target(%dma_start3A_25 : memref<632x128xf32, #tpu.memory_space<vmem_shared>>) target_semaphore(%run_scoped3A : memref<!tpu.dma_semaphore, #tpu.memory_space<semaphore_mem>>)
        %dma_wait3A = arith.constant 0 : i32
        %dma_wait3A_28 = tpu.memref_slice %arg10[%mul3A_2, %dma_wait3A] : memref<10000x128xf32, #tpu.memory_space<vmem_shared>> -> memref<632x128xf32, #tpu.memory_space<vmem_shared>>
        %dma_wait3A_29 = arith.constant 0 : i32
        %dma_wait3A_30 = tpu.memref_slice %arg5[%mul3A_2, %dma_wait3A_29] : memref<10000x128xf32, #tpu.memory_space<hbm>> -> memref<632x128xf32, #tpu.memory_space<hbm>>
        tpu.wait_dma2 semaphore(%run_scoped3A : memref<!tpu.dma_semaphore, #tpu.memory_space<semaphore_mem>>) src(%dma_wait3A_30 : memref<632x128xf32, #tpu.memory_space<hbm>>) dst(%dma_wait3A_28 : memref<632x128xf32, #tpu.memory_space<vmem_shared>>)
        tpu.yield
      }) : () -> ()
    } else {
    }
    %eq3A = arith.constant 15 : i32
    %eq3A_5 = arith.cmpi eq, %arg1, %eq3A : i32
    %convert_element_type3A_6 = arith.extui %eq3A_5 : i1 to i32
    %cond3A_7 = arith.constant 0 : i32
    %cond3A_8 = arith.cmpi ne, %convert_element_type3A_6, %cond3A_7 : i32
    scf.if %cond3A_8 {
      "tpu.region"() ({
        %run_scoped3A = tpu.sem_alloc : memref<!tpu.dma_semaphore, #tpu.memory_space<semaphore_mem>>
        %dma_start3A = arith.constant 0 : i32
        %dma_start3A_25 = tpu.memref_slice %arg10[%mul3A_2, %dma_start3A] : memref<10000x128xf32, #tpu.memory_space<vmem_shared>> -> memref<520x128xf32, #tpu.memory_space<vmem_shared>>
        %dma_start3A_26 = arith.constant 0 : i32
        %dma_start3A_27 = tpu.memref_slice %arg5[%mul3A_2, %dma_start3A_26] : memref<10000x128xf32, #tpu.memory_space<hbm>> -> memref<520x128xf32, #tpu.memory_space<hbm>>
        tpu.enqueue_dma source(%dma_start3A_27 : memref<520x128xf32, #tpu.memory_space<hbm>>) target(%dma_start3A_25 : memref<520x128xf32, #tpu.memory_space<vmem_shared>>) target_semaphore(%run_scoped3A : memref<!tpu.dma_semaphore, #tpu.memory_space<semaphore_mem>>)
        %dma_wait3A = arith.constant 0 : i32
        %dma_wait3A_28 = tpu.memref_slice %arg10[%mul3A_2, %dma_wait3A] : memref<10000x128xf32, #tpu.memory_space<vmem_shared>> -> memref<520x128xf32, #tpu.memory_space<vmem_shared>>
        %dma_wait3A_29 = arith.constant 0 : i32
        %dma_wait3A_30 = tpu.memref_slice %arg5[%mul3A_2, %dma_wait3A_29] : memref<10000x128xf32, #tpu.memory_space<hbm>> -> memref<520x128xf32, #tpu.memory_space<hbm>>
        tpu.wait_dma2 semaphore(%run_scoped3A : memref<!tpu.dma_semaphore, #tpu.memory_space<semaphore_mem>>) src(%dma_wait3A_30 : memref<520x128xf32, #tpu.memory_space<hbm>>) dst(%dma_wait3A_28 : memref<520x128xf32, #tpu.memory_space<vmem_shared>>)
        tpu.yield
      }) : () -> ()
    } else {
    }
    %barrier3A = arith.constant 0 : index
    tpu.barrier barrier_id(%barrier3A)
    %scan3A = arith.constant 0 : i32
    %scan3A_9 = arith.constant 0 : i32
    %scan3A_10 = arith.constant 100 : i32
    %scan3A_11 = arith.addi %scan3A_9, %scan3A_10 : i32
    %scan3A_12 = arith.constant 1 : i32
    scf.for %scan3A_25 = %scan3A_9 to %scan3A_11 step %scan3A_12  : i32 {
      "tpu.region"() ({
        %run_scoped3A = tpu.sem_alloc : memref<!tpu.dma_semaphore, #tpu.memory_space<semaphore_mem>>
        %dma_start3A = arith.constant 0 : i32
        %dma_start3A_26 = tpu.memref_slice %arg7[%scan3A_25, %dma_start3A] : memref<100x100xi32, #tpu.memory_space<vmem>> -> memref<1x100xi32, #tpu.memory_space<vmem>>
        %dma_start3A_27 = tpu.memref_squeeze %dma_start3A_26 : memref<1x100xi32, #tpu.memory_space<vmem>> -> memref<100xi32, #tpu.memory_space<vmem>>
        %dma_start3A_28 = arith.constant 0 : i32
        %dma_start3A_29 = arith.constant 0 : i32
        %dma_start3A_30 = tpu.memref_slice %arg2[%dma_start3A_28, %dma_start3A_29] : memref<10000x128xf32, #tpu.memory_space<hbm>> -> memref<10000x128xf32, #tpu.memory_space<hbm>>
        tpu.enqueue_indirect_dma source(%dma_start3A_30 : memref<10000x128xf32, #tpu.memory_space<hbm>>) target(%arg9 : memref<100x128xf32, #tpu.memory_space<vmem>>) offsets(%dma_start3A_27 : memref<100xi32, #tpu.memory_space<vmem>>) semaphore(%run_scoped3A : memref<!tpu.dma_semaphore, #tpu.memory_space<semaphore_mem>>)
        %dma_wait3A = arith.constant 0 : i32
        %dma_wait3A_31 = tpu.memref_slice %arg7[%scan3A_25, %dma_wait3A] : memref<100x100xi32, #tpu.memory_space<vmem>> -> memref<1x100xi32, #tpu.memory_space<vmem>>
        %dma_wait3A_32 = tpu.memref_squeeze %dma_wait3A_31 : memref<1x100xi32, #tpu.memory_space<vmem>> -> memref<100xi32, #tpu.memory_space<vmem>>
        %dma_wait3A_33 = arith.constant 0 : i32
        %dma_wait3A_34 = arith.constant 0 : i32
        %dma_wait3A_35 = tpu.memref_slice %arg2[%dma_wait3A_33, %dma_wait3A_34] : memref<10000x128xf32, #tpu.memory_space<hbm>> -> memref<10000x128xf32, #tpu.memory_space<hbm>>
        tpu.wait_indirect_dma semaphore(%run_scoped3A : memref<!tpu.dma_semaphore, #tpu.memory_space<semaphore_mem>>) src(%dma_wait3A_35 : memref<10000x128xf32, #tpu.memory_space<hbm>>) dst(%arg9 : memref<100x128xf32, #tpu.memory_space<vmem>>)
        tpu.yield
      }) : () -> ()
      "tpu.region"() ({
        %run_scoped3A = tpu.sem_alloc : memref<!tpu.dma_semaphore, #tpu.memory_space<semaphore_mem>>
        %dma_start3A = arith.constant 0 : i32
        %dma_start3A_26 = tpu.memref_slice %arg8[%scan3A_25, %dma_start3A] : memref<100x100xi32, #tpu.memory_space<vmem>> -> memref<1x100xi32, #tpu.memory_space<vmem>>
        %dma_start3A_27 = tpu.memref_squeeze %dma_start3A_26 : memref<1x100xi32, #tpu.memory_space<vmem>> -> memref<100xi32, #tpu.memory_space<vmem>>
        %dma_start3A_28 = arith.constant 0 : i32
        %dma_start3A_29 = arith.constant 0 : i32
        %dma_start3A_30 = tpu.memref_slice %arg10[%dma_start3A_28, %dma_start3A_29] : memref<10000x128xf32, #tpu.memory_space<vmem_shared>> -> memref<10000x128xf32, #tpu.memory_space<vmem_shared>>
        tpu.enqueue_indirect_dma source(%arg9 : memref<100x128xf32, #tpu.memory_space<vmem>>) target(%dma_start3A_30 : memref<10000x128xf32, #tpu.memory_space<vmem_shared>>) offsets(%dma_start3A_27 : memref<100xi32, #tpu.memory_space<vmem>>) semaphore(%run_scoped3A : memref<!tpu.dma_semaphore, #tpu.memory_space<semaphore_mem>>) {add = true}
        %dma_wait3A = arith.constant 0 : i32
        %dma_wait3A_31 = tpu.memref_slice %arg8[%scan3A_25, %dma_wait3A] : memref<100x100xi32, #tpu.memory_space<vmem>> -> memref<1x100xi32, #tpu.memory_space<vmem>>
        %dma_wait3A_32 = tpu.memref_squeeze %dma_wait3A_31 : memref<1x100xi32, #tpu.memory_space<vmem>> -> memref<100xi32, #tpu.memory_space<vmem>>
        %dma_wait3A_33 = arith.constant 0 : i32
        %dma_wait3A_34 = arith.constant 0 : i32
        %dma_wait3A_35 = tpu.memref_slice %arg10[%dma_wait3A_33, %dma_wait3A_34] : memref<10000x128xf32, #tpu.memory_space<vmem_shared>> -> memref<10000x128xf32, #tpu.memory_space<vmem_shared>>
        tpu.wait_indirect_dma semaphore(%run_scoped3A : memref<!tpu.dma_semaphore, #tpu.memory_space<semaphore_mem>>) src(%arg9 : memref<100x128xf32, #tpu.memory_space<vmem>>) dst(%dma_wait3A_35 : memref<10000x128xf32, #tpu.memory_space<vmem_shared>>)
        tpu.yield
      }) : () -> ()
    }
    %scan3A_13 = arith.constant 100 : i32
    %barrier3A_14 = arith.constant 0 : index
    tpu.barrier barrier_id(%barrier3A_14)
    %lt3A_15 = arith.constant 15 : i32
    %lt3A_16 = arith.cmpi slt, %arg1, %lt3A_15 : i32
    %convert_element_type3A_17 = arith.extui %lt3A_16 : i1 to i32
    %cond3A_18 = arith.constant 0 : i32
    %cond3A_19 = arith.cmpi ne, %convert_element_type3A_17, %cond3A_18 : i32
    scf.if %cond3A_19 {
      "tpu.region"() ({
        %run_scoped3A = tpu.sem_alloc : memref<!tpu.dma_semaphore, #tpu.memory_space<semaphore_mem>>
        %dma_start3A = arith.constant 0 : i32
        %dma_start3A_25 = tpu.memref_slice %arg6[%arg0, %mul3A_2, %dma_start3A] : memref<2x10000x128xf32, #tpu.memory_space<hbm>> -> memref<1x632x128xf32, #tpu.memory_space<hbm>>
        %dma_start3A_26 = tpu.memref_squeeze %dma_start3A_25 : memref<1x632x128xf32, #tpu.memory_space<hbm>> -> memref<632x128xf32, #tpu.memory_space<hbm>>
        %dma_start3A_27 = arith.constant 0 : i32
        %dma_start3A_28 = tpu.memref_slice %arg10[%mul3A_2, %dma_start3A_27] : memref<10000x128xf32, #tpu.memory_space<vmem_shared>> -> memref<632x128xf32, #tpu.memory_space<vmem_shared>>
        tpu.enqueue_dma source(%dma_start3A_28 : memref<632x128xf32, #tpu.memory_space<vmem_shared>>) target(%dma_start3A_26 : memref<632x128xf32, #tpu.memory_space<hbm>>) target_semaphore(%run_scoped3A : memref<!tpu.dma_semaphore, #tpu.memory_space<semaphore_mem>>)
        %dma_wait3A = arith.constant 0 : i32
        %dma_wait3A_29 = tpu.memref_slice %arg6[%arg0, %mul3A_2, %dma_wait3A] : memref<2x10000x128xf32, #tpu.memory_space<hbm>> -> memref<1x632x128xf32, #tpu.memory_space<hbm>>
        %dma_wait3A_30 = tpu.memref_squeeze %dma_wait3A_29 : memref<1x632x128xf32, #tpu.memory_space<hbm>> -> memref<632x128xf32, #tpu.memory_space<hbm>>
        %dma_wait3A_31 = arith.constant 0 : i32
        %dma_wait3A_32 = tpu.memref_slice %arg10[%mul3A_2, %dma_wait3A_31] : memref<10000x128xf32, #tpu.memory_space<vmem_shared>> -> memref<632x128xf32, #tpu.memory_space<vmem_shared>>
        tpu.wait_dma2 semaphore(%run_scoped3A : memref<!tpu.dma_semaphore, #tpu.memory_space<semaphore_mem>>) src(%dma_wait3A_32 : memref<632x128xf32, #tpu.memory_space<vmem_shared>>) dst(%dma_wait3A_30 : memref<632x128xf32, #tpu.memory_space<hbm>>)
        tpu.yield
      }) : () -> ()
    } else {
    }
    %eq3A_20 = arith.constant 15 : i32
    %eq3A_21 = arith.cmpi eq, %arg1, %eq3A_20 : i32
    %convert_element_type3A_22 = arith.extui %eq3A_21 : i1 to i32
    %cond3A_23 = arith.constant 0 : i32
    %cond3A_24 = arith.cmpi ne, %convert_element_type3A_22, %cond3A_23 : i32
    scf.if %cond3A_24 {
      "tpu.region"() ({
        %run_scoped3A = tpu.sem_alloc : memref<!tpu.dma_semaphore, #tpu.memory_space<semaphore_mem>>
        %dma_start3A = arith.constant 0 : i32
        %dma_start3A_25 = tpu.memref_slice %arg6[%arg0, %mul3A_2, %dma_start3A] : memref<2x10000x128xf32, #tpu.memory_space<hbm>> -> memref<1x520x128xf32, #tpu.memory_space<hbm>>
        %dma_start3A_26 = tpu.memref_squeeze %dma_start3A_25 : memref<1x520x128xf32, #tpu.memory_space<hbm>> -> memref<520x128xf32, #tpu.memory_space<hbm>>
        %dma_start3A_27 = arith.constant 0 : i32
        %dma_start3A_28 = tpu.memref_slice %arg10[%mul3A_2, %dma_start3A_27] : memref<10000x128xf32, #tpu.memory_space<vmem_shared>> -> memref<520x128xf32, #tpu.memory_space<vmem_shared>>
        tpu.enqueue_dma source(%dma_start3A_28 : memref<520x128xf32, #tpu.memory_space<vmem_shared>>) target(%dma_start3A_26 : memref<520x128xf32, #tpu.memory_space<hbm>>) target_semaphore(%run_scoped3A : memref<!tpu.dma_semaphore, #tpu.memory_space<semaphore_mem>>)
        %dma_wait3A = arith.constant 0 : i32
        %dma_wait3A_29 = tpu.memref_slice %arg6[%arg0, %mul3A_2, %dma_wait3A] : memref<2x10000x128xf32, #tpu.memory_space<hbm>> -> memref<1x520x128xf32, #tpu.memory_space<hbm>>
        %dma_wait3A_30 = tpu.memref_squeeze %dma_wait3A_29 : memref<1x520x128xf32, #tpu.memory_space<hbm>> -> memref<520x128xf32, #tpu.memory_space<hbm>>
        %dma_wait3A_31 = arith.constant 0 : i32
        %dma_wait3A_32 = tpu.memref_slice %arg10[%mul3A_2, %dma_wait3A_31] : memref<10000x128xf32, #tpu.memory_space<vmem_shared>> -> memref<520x128xf32, #tpu.memory_space<vmem_shared>>
        tpu.wait_dma2 semaphore(%run_scoped3A : memref<!tpu.dma_semaphore, #tpu.memory_space<semaphore_mem>>) src(%dma_wait3A_32 : memref<520x128xf32, #tpu.memory_space<vmem_shared>>) dst(%dma_wait3A_30 : memref<520x128xf32, #tpu.memory_space<hbm>>)
        tpu.yield
      }) : () -> ()
    } else {
    }
    return
  }
}

#map = affine_map<(d0, d1) -> (0, 0)>
#map1 = affine_map<(d0, d1) -> (0, 0, 0)>
module attributes {stable_mosaic.version = 14 : i64} {
  func.func @k(%arg0: i32, %arg1: i32, %arg2: memref<10000x128xf32, #tpu.memory_space<hbm>>, %arg3: memref<32x100x100xi32, #tpu.memory_space<hbm>>, %arg4: memref<32x100x100xi32, #tpu.memory_space<hbm>>, %arg5: memref<10000x128xf32, #tpu.memory_space<hbm>>, %arg6: memref<2x10000x128xf32, #tpu.memory_space<hbm>>, %arg7: memref<100x100xi32, #tpu.memory_space<vmem>>, %arg8: memref<100x100xi32, #tpu.memory_space<vmem>>, %arg9: memref<100x128xf32, #tpu.memory_space<vmem>>, %arg10: memref<10000x128xf32, #tpu.memory_space<vmem_shared>>) attributes {dimension_semantics = [#tpu.dimension_semantics<core_parallel>, #tpu.dimension_semantics<subcore_parallel>], iteration_bounds = array<i64: 2, 16>, scalar_prefetch = 0 : i64, scratch_operands = 4 : i64, tpu.core_type = #tpu.core_type<sc_vector_subcore>, window_params = [{transform_indices = #map}, {transform_indices = #map1}, {transform_indices = #map1}, {transform_indices = #map}, {transform_indices = #map1}]} {
    %mul3A = arith.constant 2 : i32
    %mul3A_0 = arith.muli %arg1, %mul3A : i32
    %add3A = arith.addi %mul3A_0, %arg0 : i32
    "tpu.region"() ({
      %run_scoped3A = tpu.sem_alloc : memref<!tpu.dma_semaphore, #tpu.memory_space<semaphore_mem>>
      %dma_start3A = arith.constant 0 : i32
      %dma_start3A_25 = arith.constant 0 : i32
      %dma_start3A_26 = tpu.memref_slice %arg3[%add3A, %dma_start3A, %dma_start3A_25] : memref<32x100x100xi32, #tpu.memory_space<hbm>> -> memref<1x100x100xi32, #tpu.memory_space<hbm>>
      %dma_start3A_27 = tpu.memref_squeeze %dma_start3A_26 : memref<1x100x100xi32, #tpu.memory_space<hbm>> -> memref<100x100xi32, #tpu.memory_space<hbm>>
      %dma_start3A_28 = arith.constant 0 : i32
      %dma_start3A_29 = arith.constant 0 : i32
      %dma_start3A_30 = tpu.memref_slice %arg3[%add3A, %dma_start3A_28, %dma_start3A_29] : memref<32x100x100xi32, #tpu.memory_space<hbm>> -> memref<1x100x100xi32, #tpu.memory_space<hbm>>
      %dma_start3A_31 = tpu.memref_squeeze %dma_start3A_30 : memref<1x100x100xi32, #tpu.memory_space<hbm>> -> memref<100x100xi32, #tpu.memory_space<hbm>>
      tpu.enqueue_dma source(%dma_start3A_31 : memref<100x100xi32, #tpu.memory_space<hbm>>) target(%arg7 : memref<100x100xi32, #tpu.memory_space<vmem>>) target_semaphore(%run_scoped3A : memref<!tpu.dma_semaphore, #tpu.memory_space<semaphore_mem>>)
      %dma_wait3A = arith.constant 0 : i32
      %dma_wait3A_32 = arith.constant 0 : i32
      %dma_wait3A_33 = tpu.memref_slice %arg3[%add3A, %dma_wait3A, %dma_wait3A_32] : memref<32x100x100xi32, #tpu.memory_space<hbm>> -> memref<1x100x100xi32, #tpu.memory_space<hbm>>
      %dma_wait3A_34 = tpu.memref_squeeze %dma_wait3A_33 : memref<1x100x100xi32, #tpu.memory_space<hbm>> -> memref<100x100xi32, #tpu.memory_space<hbm>>
      %dma_wait3A_35 = arith.constant 0 : i32
      %dma_wait3A_36 = arith.constant 0 : i32
      %dma_wait3A_37 = tpu.memref_slice %arg3[%add3A, %dma_wait3A_35, %dma_wait3A_36] : memref<32x100x100xi32, #tpu.memory_space<hbm>> -> memref<1x100x100xi32, #tpu.memory_space<hbm>>
      %dma_wait3A_38 = tpu.memref_squeeze %dma_wait3A_37 : memref<1x100x100xi32, #tpu.memory_space<hbm>> -> memref<100x100xi32, #tpu.memory_space<hbm>>
      tpu.wait_dma2 semaphore(%run_scoped3A : memref<!tpu.dma_semaphore, #tpu.memory_space<semaphore_mem>>) src(%dma_wait3A_38 : memref<100x100xi32, #tpu.memory_space<hbm>>) dst(%arg7 : memref<100x100xi32, #tpu.memory_space<vmem>>)
      tpu.yield
    }) : () -> ()
    "tpu.region"() ({
      %run_scoped3A = tpu.sem_alloc : memref<!tpu.dma_semaphore, #tpu.memory_space<semaphore_mem>>
      %dma_start3A = arith.constant 0 : i32
      %dma_start3A_25 = arith.constant 0 : i32
      %dma_start3A_26 = tpu.memref_slice %arg4[%add3A, %dma_start3A, %dma_start3A_25] : memref<32x100x100xi32, #tpu.memory_space<hbm>> -> memref<1x100x100xi32, #tpu.memory_space<hbm>>
      %dma_start3A_27 = tpu.memref_squeeze %dma_start3A_26 : memref<1x100x100xi32, #tpu.memory_space<hbm>> -> memref<100x100xi32, #tpu.memory_space<hbm>>
      %dma_start3A_28 = arith.constant 0 : i32
      %dma_start3A_29 = arith.constant 0 : i32
      %dma_start3A_30 = tpu.memref_slice %arg4[%add3A, %dma_start3A_28, %dma_start3A_29] : memref<32x100x100xi32, #tpu.memory_space<hbm>> -> memref<1x100x100xi32, #tpu.memory_space<hbm>>
      %dma_start3A_31 = tpu.memref_squeeze %dma_start3A_30 : memref<1x100x100xi32, #tpu.memory_space<hbm>> -> memref<100x100xi32, #tpu.memory_space<hbm>>
      tpu.enqueue_dma source(%dma_start3A_31 : memref<100x100xi32, #tpu.memory_space<hbm>>) target(%arg8 : memref<100x100xi32, #tpu.memory_space<vmem>>) target_semaphore(%run_scoped3A : memref<!tpu.dma_semaphore, #tpu.memory_space<semaphore_mem>>)
      %dma_wait3A = arith.constant 0 : i32
      %dma_wait3A_32 = arith.constant 0 : i32
      %dma_wait3A_33 = tpu.memref_slice %arg4[%add3A, %dma_wait3A, %dma_wait3A_32] : memref<32x100x100xi32, #tpu.memory_space<hbm>> -> memref<1x100x100xi32, #tpu.memory_space<hbm>>
      %dma_wait3A_34 = tpu.memref_squeeze %dma_wait3A_33 : memref<1x100x100xi32, #tpu.memory_space<hbm>> -> memref<100x100xi32, #tpu.memory_space<hbm>>
      %dma_wait3A_35 = arith.constant 0 : i32
      %dma_wait3A_36 = arith.constant 0 : i32
      %dma_wait3A_37 = tpu.memref_slice %arg4[%add3A, %dma_wait3A_35, %dma_wait3A_36] : memref<32x100x100xi32, #tpu.memory_space<hbm>> -> memref<1x100x100xi32, #tpu.memory_space<hbm>>
      %dma_wait3A_38 = tpu.memref_squeeze %dma_wait3A_37 : memref<1x100x100xi32, #tpu.memory_space<hbm>> -> memref<100x100xi32, #tpu.memory_space<hbm>>
      tpu.wait_dma2 semaphore(%run_scoped3A : memref<!tpu.dma_semaphore, #tpu.memory_space<semaphore_mem>>) src(%dma_wait3A_38 : memref<100x100xi32, #tpu.memory_space<hbm>>) dst(%arg8 : memref<100x100xi32, #tpu.memory_space<vmem>>)
      tpu.yield
    }) : () -> ()
    %mul3A_1 = arith.constant 632 : i32
    %mul3A_2 = arith.muli %arg1, %mul3A_1 : i32
    %lt3A = arith.constant 15 : i32
    %lt3A_3 = arith.cmpi slt, %arg1, %lt3A : i32
    %convert_element_type3A = arith.extui %lt3A_3 : i1 to i32
    %cond3A = arith.constant 0 : i32
    %cond3A_4 = arith.cmpi ne, %convert_element_type3A, %cond3A : i32
    scf.if %cond3A_4 {
      "tpu.region"() ({
        %run_scoped3A = tpu.sem_alloc : memref<!tpu.dma_semaphore, #tpu.memory_space<semaphore_mem>>
        %dma_start3A = arith.constant 0 : i32
        %dma_start3A_25 = tpu.memref_slice %arg10[%mul3A_2, %dma_start3A] : memref<10000x128xf32, #tpu.memory_space<vmem_shared>> -> memref<632x128xf32, #tpu.memory_space<vmem_shared>>
        %dma_start3A_26 = arith.constant 0 : i32
        %dma_start3A_27 = tpu.memref_slice %arg5[%mul3A_2, %dma_start3A_26] : memref<10000x128xf32, #tpu.memory_space<hbm>> -> memref<632x128xf32, #tpu.memory_space<hbm>>
        tpu.enqueue_dma source(%dma_start3A_27 : memref<632x128xf32, #tpu.memory_space<hbm>>) target(%dma_start3A_25 : memref<632x128xf32, #tpu.memory_space<vmem_shared>>) target_semaphore(%run_scoped3A : memref<!tpu.dma_semaphore, #tpu.memory_space<semaphore_mem>>)
        %dma_wait3A = arith.constant 0 : i32
        %dma_wait3A_28 = tpu.memref_slice %arg10[%mul3A_2, %dma_wait3A] : memref<10000x128xf32, #tpu.memory_space<vmem_shared>> -> memref<632x128xf32, #tpu.memory_space<vmem_shared>>
        %dma_wait3A_29 = arith.constant 0 : i32
        %dma_wait3A_30 = tpu.memref_slice %arg5[%mul3A_2, %dma_wait3A_29] : memref<10000x128xf32, #tpu.memory_space<hbm>> -> memref<632x128xf32, #tpu.memory_space<hbm>>
        tpu.wait_dma2 semaphore(%run_scoped3A : memref<!tpu.dma_semaphore, #tpu.memory_space<semaphore_mem>>) src(%dma_wait3A_30 : memref<632x128xf32, #tpu.memory_space<hbm>>) dst(%dma_wait3A_28 : memref<632x128xf32, #tpu.memory_space<vmem_shared>>)
        tpu.yield
      }) : () -> ()
    } else {
    }
    %eq3A = arith.constant 15 : i32
    %eq3A_5 = arith.cmpi eq, %arg1, %eq3A : i32
    %convert_element_type3A_6 = arith.extui %eq3A_5 : i1 to i32
    %cond3A_7 = arith.constant 0 : i32
    %cond3A_8 = arith.cmpi ne, %convert_element_type3A_6, %cond3A_7 : i32
    scf.if %cond3A_8 {
      "tpu.region"() ({
        %run_scoped3A = tpu.sem_alloc : memref<!tpu.dma_semaphore, #tpu.memory_space<semaphore_mem>>
        %dma_start3A = arith.constant 0 : i32
        %dma_start3A_25 = tpu.memref_slice %arg10[%mul3A_2, %dma_start3A] : memref<10000x128xf32, #tpu.memory_space<vmem_shared>> -> memref<520x128xf32, #tpu.memory_space<vmem_shared>>
        %dma_start3A_26 = arith.constant 0 : i32
        %dma_start3A_27 = tpu.memref_slice %arg5[%mul3A_2, %dma_start3A_26] : memref<10000x128xf32, #tpu.memory_space<hbm>> -> memref<520x128xf32, #tpu.memory_space<hbm>>
        tpu.enqueue_dma source(%dma_start3A_27 : memref<520x128xf32, #tpu.memory_space<hbm>>) target(%dma_start3A_25 : memref<520x128xf32, #tpu.memory_space<vmem_shared>>) target_semaphore(%run_scoped3A : memref<!tpu.dma_semaphore, #tpu.memory_space<semaphore_mem>>)
        %dma_wait3A = arith.constant 0 : i32
        %dma_wait3A_28 = tpu.memref_slice %arg10[%mul3A_2, %dma_wait3A] : memref<10000x128xf32, #tpu.memory_space<vmem_shared>> -> memref<520x128xf32, #tpu.memory_space<vmem_shared>>
        %dma_wait3A_29 = arith.constant 0 : i32
        %dma_wait3A_30 = tpu.memref_slice %arg5[%mul3A_2, %dma_wait3A_29] : memref<10000x128xf32, #tpu.memory_space<hbm>> -> memref<520x128xf32, #tpu.memory_space<hbm>>
        tpu.wait_dma2 semaphore(%run_scoped3A : memref<!tpu.dma_semaphore, #tpu.memory_space<semaphore_mem>>) src(%dma_wait3A_30 : memref<520x128xf32, #tpu.memory_space<hbm>>) dst(%dma_wait3A_28 : memref<520x128xf32, #tpu.memory_space<vmem_shared>>)
        tpu.yield
      }) : () -> ()
    } else {
    }
    %barrier3A = arith.constant 0 : index
    tpu.barrier barrier_id(%barrier3A)
    %scan3A = arith.constant 0 : i32
    %scan3A_9 = arith.constant 0 : i32
    %scan3A_10 = arith.constant 100 : i32
    %scan3A_11 = arith.addi %scan3A_9, %scan3A_10 : i32
    %scan3A_12 = arith.constant 1 : i32
    scf.for %scan3A_25 = %scan3A_9 to %scan3A_11 step %scan3A_12  : i32 {
      "tpu.region"() ({
        %run_scoped3A = tpu.sem_alloc : memref<!tpu.dma_semaphore, #tpu.memory_space<semaphore_mem>>
        %dma_start3A = arith.constant 0 : i32
        %dma_start3A_26 = tpu.memref_slice %arg7[%scan3A_25, %dma_start3A] : memref<100x100xi32, #tpu.memory_space<vmem>> -> memref<1x100xi32, #tpu.memory_space<vmem>>
        %dma_start3A_27 = tpu.memref_squeeze %dma_start3A_26 : memref<1x100xi32, #tpu.memory_space<vmem>> -> memref<100xi32, #tpu.memory_space<vmem>>
        %dma_start3A_28 = arith.constant 0 : i32
        %dma_start3A_29 = arith.constant 0 : i32
        %dma_start3A_30 = tpu.memref_slice %arg2[%dma_start3A_28, %dma_start3A_29] : memref<10000x128xf32, #tpu.memory_space<hbm>> -> memref<10000x128xf32, #tpu.memory_space<hbm>>
        tpu.enqueue_indirect_dma source(%dma_start3A_30 : memref<10000x128xf32, #tpu.memory_space<hbm>>) target(%arg9 : memref<100x128xf32, #tpu.memory_space<vmem>>) offsets(%dma_start3A_27 : memref<100xi32, #tpu.memory_space<vmem>>) semaphore(%run_scoped3A : memref<!tpu.dma_semaphore, #tpu.memory_space<semaphore_mem>>)
        %dma_wait3A = arith.constant 0 : i32
        %dma_wait3A_31 = tpu.memref_slice %arg7[%scan3A_25, %dma_wait3A] : memref<100x100xi32, #tpu.memory_space<vmem>> -> memref<1x100xi32, #tpu.memory_space<vmem>>
        %dma_wait3A_32 = tpu.memref_squeeze %dma_wait3A_31 : memref<1x100xi32, #tpu.memory_space<vmem>> -> memref<100xi32, #tpu.memory_space<vmem>>
        %dma_wait3A_33 = arith.constant 0 : i32
        %dma_wait3A_34 = arith.constant 0 : i32
        %dma_wait3A_35 = tpu.memref_slice %arg2[%dma_wait3A_33, %dma_wait3A_34] : memref<10000x128xf32, #tpu.memory_space<hbm>> -> memref<10000x128xf32, #tpu.memory_space<hbm>>
        tpu.wait_indirect_dma semaphore(%run_scoped3A : memref<!tpu.dma_semaphore, #tpu.memory_space<semaphore_mem>>) src(%dma_wait3A_35 : memref<10000x128xf32, #tpu.memory_space<hbm>>) dst(%arg9 : memref<100x128xf32, #tpu.memory_space<vmem>>)
        tpu.yield
      }) : () -> ()
      "tpu.region"() ({
        %run_scoped3A = tpu.sem_alloc : memref<!tpu.dma_semaphore, #tpu.memory_space<semaphore_mem>>
        %dma_start3A = arith.constant 0 : i32
        %dma_start3A_26 = tpu.memref_slice %arg8[%scan3A_25, %dma_start3A] : memref<100x100xi32, #tpu.memory_space<vmem>> -> memref<1x100xi32, #tpu.memory_space<vmem>>
        %dma_start3A_27 = tpu.memref_squeeze %dma_start3A_26 : memref<1x100xi32, #tpu.memory_space<vmem>> -> memref<100xi32, #tpu.memory_space<vmem>>
        %dma_start3A_28 = arith.constant 0 : i32
        %dma_start3A_29 = arith.constant 0 : i32
        %dma_start3A_30 = tpu.memref_slice %arg10[%dma_start3A_28, %dma_start3A_29] : memref<10000x128xf32, #tpu.memory_space<vmem_shared>> -> memref<10000x128xf32, #tpu.memory_space<vmem_shared>>
        tpu.enqueue_indirect_dma source(%arg9 : memref<100x128xf32, #tpu.memory_space<vmem>>) target(%dma_start3A_30 : memref<10000x128xf32, #tpu.memory_space<vmem_shared>>) offsets(%dma_start3A_27 : memref<100xi32, #tpu.memory_space<vmem>>) semaphore(%run_scoped3A : memref<!tpu.dma_semaphore, #tpu.memory_space<semaphore_mem>>) {add = true}
        %dma_wait3A = arith.constant 0 : i32
        %dma_wait3A_31 = tpu.memref_slice %arg8[%scan3A_25, %dma_wait3A] : memref<100x100xi32, #tpu.memory_space<vmem>> -> memref<1x100xi32, #tpu.memory_space<vmem>>
        %dma_wait3A_32 = tpu.memref_squeeze %dma_wait3A_31 : memref<1x100xi32, #tpu.memory_space<vmem>> -> memref<100xi32, #tpu.memory_space<vmem>>
        %dma_wait3A_33 = arith.constant 0 : i32
        %dma_wait3A_34 = arith.constant 0 : i32
        %dma_wait3A_35 = tpu.memref_slice %arg10[%dma_wait3A_33, %dma_wait3A_34] : memref<10000x128xf32, #tpu.memory_space<vmem_shared>> -> memref<10000x128xf32, #tpu.memory_space<vmem_shared>>
        tpu.wait_indirect_dma semaphore(%run_scoped3A : memref<!tpu.dma_semaphore, #tpu.memory_space<semaphore_mem>>) src(%arg9 : memref<100x128xf32, #tpu.memory_space<vmem>>) dst(%dma_wait3A_35 : memref<10000x128xf32, #tpu.memory_space<vmem_shared>>)
        tpu.yield
      }) : () -> ()
    }
    %scan3A_13 = arith.constant 100 : i32
    %barrier3A_14 = arith.constant 0 : index
    tpu.barrier barrier_id(%barrier3A_14)
    %lt3A_15 = arith.constant 15 : i32
    %lt3A_16 = arith.cmpi slt, %arg1, %lt3A_15 : i32
    %convert_element_type3A_17 = arith.extui %lt3A_16 : i1 to i32
    %cond3A_18 = arith.constant 0 : i32
    %cond3A_19 = arith.cmpi ne, %convert_element_type3A_17, %cond3A_18 : i32
    scf.if %cond3A_19 {
      "tpu.region"() ({
        %run_scoped3A = tpu.sem_alloc : memref<!tpu.dma_semaphore, #tpu.memory_space<semaphore_mem>>
        %dma_start3A = arith.constant 0 : i32
        %dma_start3A_25 = tpu.memref_slice %arg6[%arg0, %mul3A_2, %dma_start3A] : memref<2x10000x128xf32, #tpu.memory_space<hbm>> -> memref<1x632x128xf32, #tpu.memory_space<hbm>>
        %dma_start3A_26 = tpu.memref_squeeze %dma_start3A_25 : memref<1x632x128xf32, #tpu.memory_space<hbm>> -> memref<632x128xf32, #tpu.memory_space<hbm>>
        %dma_start3A_27 = arith.constant 0 : i32
        %dma_start3A_28 = tpu.memref_slice %arg10[%mul3A_2, %dma_start3A_27] : memref<10000x128xf32, #tpu.memory_space<vmem_shared>> -> memref<632x128xf32, #tpu.memory_space<vmem_shared>>
        tpu.enqueue_dma source(%dma_start3A_28 : memref<632x128xf32, #tpu.memory_space<vmem_shared>>) target(%dma_start3A_26 : memref<632x128xf32, #tpu.memory_space<hbm>>) target_semaphore(%run_scoped3A : memref<!tpu.dma_semaphore, #tpu.memory_space<semaphore_mem>>)
        %dma_wait3A = arith.constant 0 : i32
        %dma_wait3A_29 = tpu.memref_slice %arg6[%arg0, %mul3A_2, %dma_wait3A] : memref<2x10000x128xf32, #tpu.memory_space<hbm>> -> memref<1x632x128xf32, #tpu.memory_space<hbm>>
        %dma_wait3A_30 = tpu.memref_squeeze %dma_wait3A_29 : memref<1x632x128xf32, #tpu.memory_space<hbm>> -> memref<632x128xf32, #tpu.memory_space<hbm>>
        %dma_wait3A_31 = arith.constant 0 : i32
        %dma_wait3A_32 = tpu.memref_slice %arg10[%mul3A_2, %dma_wait3A_31] : memref<10000x128xf32, #tpu.memory_space<vmem_shared>> -> memref<632x128xf32, #tpu.memory_space<vmem_shared>>
        tpu.wait_dma2 semaphore(%run_scoped3A : memref<!tpu.dma_semaphore, #tpu.memory_space<semaphore_mem>>) src(%dma_wait3A_32 : memref<632x128xf32, #tpu.memory_space<vmem_shared>>) dst(%dma_wait3A_30 : memref<632x128xf32, #tpu.memory_space<hbm>>)
        tpu.yield
      }) : () -> ()
    } else {
    }
    %eq3A_20 = arith.constant 15 : i32
    %eq3A_21 = arith.cmpi eq, %arg1, %eq3A_20 : i32
    %convert_element_type3A_22 = arith.extui %eq3A_21 : i1 to i32
    %cond3A_23 = arith.constant 0 : i32
    %cond3A_24 = arith.cmpi ne, %convert_element_type3A_22, %cond3A_23 : i32
    scf.if %cond3A_24 {
      "tpu.region"() ({
        %run_scoped3A = tpu.sem_alloc : memref<!tpu.dma_semaphore, #tpu.memory_space<semaphore_mem>>
        %dma_start3A = arith.constant 0 : i32
        %dma_start3A_25 = tpu.memref_slice %arg6[%arg0, %mul3A_2, %dma_start3A] : memref<2x10000x128xf32, #tpu.memory_space<hbm>> -> memref<1x520x128xf32, #tpu.memory_space<hbm>>
        %dma_start3A_26 = tpu.memref_squeeze %dma_start3A_25 : memref<1x520x128xf32, #tpu.memory_space<hbm>> -> memref<520x128xf32, #tpu.memory_space<hbm>>
        %dma_start3A_27 = arith.constant 0 : i32
        %dma_start3A_28 = tpu.memref_slice %arg10[%mul3A_2, %dma_start3A_27] : memref<10000x128xf32, #tpu.memory_space<vmem_shared>> -> memref<520x128xf32, #tpu.memory_space<vmem_shared>>
        tpu.enqueue_dma source(%dma_start3A_28 : memref<520x128xf32, #tpu.memory_space<vmem_shared>>) target(%dma_start3A_26 : memref<520x128xf32, #tpu.memory_space<hbm>>) target_semaphore(%run_scoped3A : memref<!tpu.dma_semaphore, #tpu.memory_space<semaphore_mem>>)
        %dma_wait3A = arith.constant 0 : i32
        %dma_wait3A_29 = tpu.memref_slice %arg6[%arg0, %mul3A_2, %dma_wait3A] : memref<2x10000x128xf32, #tpu.memory_space<hbm>> -> memref<1x520x128xf32, #tpu.memory_space<hbm>>
        %dma_wait3A_30 = tpu.memref_squeeze %dma_wait3A_29 : memref<1x520x128xf32, #tpu.memory_space<hbm>> -> memref<520x128xf32, #tpu.memory_space<hbm>>
        %dma_wait3A_31 = arith.constant 0 : i32
        %dma_wait3A_32 = tpu.memref_slice %arg10[%mul3A_2, %dma_wait3A_31] : memref<10000x128xf32, #tpu.memory_space<vmem_shared>> -> memref<520x128xf32, #tpu.memory_space<vmem_shared>>
        tpu.wait_dma2 semaphore(%run_scoped3A : memref<!tpu.dma_semaphore, #tpu.memory_space<semaphore_mem>>) src(%dma_wait3A_32 : memref<520x128xf32, #tpu.memory_space<vmem_shared>>) dst(%dma_wait3A_30 : memref<520x128xf32, #tpu.memory_space<hbm>>)
        tpu.yield
      }) : () -> ()
    } else {
    }
    return
  }
}

module attributes {stable_mosaic.version = 14 : i64} {
  func.func @body(%arg0: i32, %arg1: memref<2x2000x16xf32, #tpu.memory_space<vmem>>, %arg2: memref<2000x128xf32, #tpu.memory_space<vmem>>, %arg3: memref<2000x128xf32, #tpu.memory_space<vmem>>, %arg4: memref<2000x16xf32, #tpu.memory_space<vmem>>) attributes {dimension_semantics = [#tpu.dimension_semantics<arbitrary>], iteration_bounds = array<i64: 5>, scalar_prefetch = 0 : i64, scratch_operands = 0 : i64, tpu.core_type = #tpu.core_type<tc>, window_params = [{transform_indices = @transform_0, window_bounds = array<i64: 2, 2000, 16>}, {transform_indices = @transform_1, window_bounds = array<i64: 2000, 128>}, {transform_indices = @transform_2, window_bounds = array<i64: 2000, 128>}, {transform_indices = @transform_3, window_bounds = array<i64: 2000, 16>}]} {
    %get3A = arith.constant 0 : index
    %get3A_0 = arith.constant 0 : index
    %get3A_1 = arith.constant 0 : index
    %get3A_2 = vector.load %arg1[%get3A, %get3A_0, %get3A_1] : memref<2x2000x16xf32, #tpu.memory_space<vmem>>, vector<1x2000x16xf32>
    %get3A_3 = vector.shape_cast %get3A_2 : vector<1x2000x16xf32> to vector<2000x16xf32>
    %get3A_4 = arith.constant 1 : index
    %get3A_5 = arith.constant 0 : index
    %get3A_6 = arith.constant 0 : index
    %get3A_7 = vector.load %arg1[%get3A_4, %get3A_5, %get3A_6] : memref<2x2000x16xf32, #tpu.memory_space<vmem>>, vector<1x2000x16xf32>
    %get3A_8 = vector.shape_cast %get3A_7 : vector<1x2000x16xf32> to vector<2000x16xf32>
    %add3A = arith.addf %get3A_3, %get3A_8 : vector<2000x16xf32>
    %add3A_9 = arith.constant 1.000000e+00 : f32
    %add3A_10 = vector.broadcast %add3A_9 : f32 to vector<2000x16xf32>
    %add3A_11 = arith.addf %add3A, %add3A_10 : vector<2000x16xf32>
    %rsqrt3A = math.rsqrt %add3A_11 : vector<2000x16xf32>
    %swap3A = arith.constant 0 : index
    %swap3A_12 = arith.constant 0 : index
    %swap3A_13 = vector.load %arg4[%swap3A, %swap3A_12] : memref<2000x16xf32, #tpu.memory_space<vmem>>, vector<2000x16xf32>
    tpu.vector_store %arg4[%swap3A, %swap3A_12], %rsqrt3A {strides = array<i32>} : memref<2000x16xf32, #tpu.memory_space<vmem>>, vector<2000x16xf32>,
    %slice3A = vector.extract_strided_slice %rsqrt3A {offsets = [0, 0], sizes = [2000, 1], strides = [1, 1]} : vector<2000x16xf32> to vector<2000x1xf32>
    %get3A_14 = arith.constant 0 : index
    %get3A_15 = arith.constant 0 : index
    %get3A_16 = vector.load %arg2[%get3A_14, %get3A_15] : memref<2000x128xf32, #tpu.memory_space<vmem>>, vector<2000x128xf32>
    %mul3A = vector.broadcast %slice3A : vector<2000x1xf32> to vector<2000x128xf32>
    %mul3A_17 = arith.mulf %mul3A, %get3A_16 : vector<2000x128xf32>
    %swap3A_18 = arith.constant 0 : index
    %swap3A_19 = arith.constant 0 : index
    %swap3A_20 = vector.load %arg3[%swap3A_18, %swap3A_19] : memref<2000x128xf32, #tpu.memory_space<vmem>>, vector<2000x128xf32>
    tpu.vector_store %arg3[%swap3A_18, %swap3A_19], %mul3A_17 {strides = array<i32>} : memref<2000x128xf32, #tpu.memory_space<vmem>>, vector<2000x128xf32>,
    return
  }
  func.func @transform_0(%arg0: i32) -> (i32, i32, i32) {
    %c0_i32 = arith.constant 0 : i32
    %c0_i32_0 = arith.constant 0 : i32
    %c0_i32_1 = arith.constant 0 : i32
    return %c0_i32, %arg0, %c0_i32_0 : i32, i32, i32
  }
  func.func @transform_1(%arg0: i32) -> (i32, i32) {
    %c0_i32 = arith.constant 0 : i32
    %c0_i32_0 = arith.constant 0 : i32
    return %arg0, %c0_i32 : i32, i32
  }
  func.func @transform_2(%arg0: i32) -> (i32, i32) {
    %c0_i32 = arith.constant 0 : i32
    %c0_i32_0 = arith.constant 0 : i32
    return %arg0, %c0_i32 : i32, i32
  }
  func.func @transform_3(%arg0: i32) -> (i32, i32) {
    %c0_i32 = arith.constant 0 : i32
    %c0_i32_0 = arith.constant 0 : i32
    return %arg0, %c0_i32 : i32, i32
  }
}

module attributes {stable_mosaic.version = 14 : i64} {
  func.func @body(%arg0: i32, %arg1: memref<2x2000x128xf32, #tpu.memory_space<vmem>>, %arg2: memref<2000x128xf32, #tpu.memory_space<vmem>>, %arg3: memref<2000x16xf32, #tpu.memory_space<vmem>>, %arg4: memref<128x128xf32, #tpu.memory_space<vmem>>, %arg5: memref<1x128xf32, #tpu.memory_space<vmem>>, %arg6: memref<2000x128xf32, #tpu.memory_space<vmem>>) attributes {dimension_semantics = [#tpu.dimension_semantics<arbitrary>], iteration_bounds = array<i64: 5>, scalar_prefetch = 0 : i64, scratch_operands = 0 : i64, tpu.core_type = #tpu.core_type<tc>, window_params = [{transform_indices = @transform_0, window_bounds = array<i64: 2, 2000, 128>}, {transform_indices = @transform_1, window_bounds = array<i64: 2000, 128>}, {transform_indices = @transform_2, window_bounds = array<i64: 2000, 16>}, {pipeline_mode = #tpu.pipeline_mode<synchronous>, transform_indices = @transform_3, window_bounds = array<i64: 128, 128>}, {pipeline_mode = #tpu.pipeline_mode<synchronous>, transform_indices = @transform_4, window_bounds = array<i64: 1, 128>}, {transform_indices = @transform_5, window_bounds = array<i64: 2000, 128>}]} {
    %get3A = arith.constant 0 : index
    %get3A_0 = arith.constant 0 : index
    %get3A_1 = vector.load %arg3[%get3A, %get3A_0] : memref<2000x16xf32, #tpu.memory_space<vmem>>, vector<2000x1xf32>
    %get3A_2 = arith.constant 0 : index
    %get3A_3 = arith.constant 0 : index
    %get3A_4 = arith.constant 0 : index
    %get3A_5 = vector.load %arg1[%get3A_2, %get3A_3, %get3A_4] : memref<2x2000x128xf32, #tpu.memory_space<vmem>>, vector<1x2000x128xf32>
    %get3A_6 = vector.shape_cast %get3A_5 : vector<1x2000x128xf32> to vector<2000x128xf32>
    %get3A_7 = arith.constant 1 : index
    %get3A_8 = arith.constant 0 : index
    %get3A_9 = arith.constant 0 : index
    %get3A_10 = vector.load %arg1[%get3A_7, %get3A_8, %get3A_9] : memref<2x2000x128xf32, #tpu.memory_space<vmem>>, vector<1x2000x128xf32>
    %get3A_11 = vector.shape_cast %get3A_10 : vector<1x2000x128xf32> to vector<2000x128xf32>
    %add3A = arith.addf %get3A_6, %get3A_11 : vector<2000x128xf32>
    %get3A_12 = arith.constant 0 : index
    %get3A_13 = arith.constant 0 : index
    %get3A_14 = vector.load %arg2[%get3A_12, %get3A_13] : memref<2000x128xf32, #tpu.memory_space<vmem>>, vector<2000x128xf32>
    %add3A_15 = arith.addf %add3A, %get3A_14 : vector<2000x128xf32>
    %mul3A = vector.broadcast %get3A_1 : vector<2000x1xf32> to vector<2000x128xf32>
    %mul3A_16 = arith.mulf %mul3A, %add3A_15 : vector<2000x128xf32>
    %get3A_17 = arith.constant 0 : index
    %get3A_18 = arith.constant 0 : index
    %get3A_19 = vector.load %arg4[%get3A_17, %get3A_18] : memref<128x128xf32, #tpu.memory_space<vmem>>, vector<128x128xf32>
    %dot_general3A = arith.constant dense<0.000000e+00> : vector<2000x128xf32>
    %dot_general3A_20 = tpu.matmul %mul3A_16, %get3A_19, %dot_general3A {dimension_numbers = #tpu.dot_dimension_numbers<[1], [0], [0], [1], [0, 0, 1, 1], [], []>, transpose_lhs_hint = false} : vector<2000x128xf32>, vector<128x128xf32>, vector<2000x128xf32> -> vector<2000x128xf32>
    %get3A_21 = arith.constant 0 : index
    %get3A_22 = arith.constant 0 : index
    %get3A_23 = vector.load %arg5[%get3A_21, %get3A_22] : memref<1x128xf32, #tpu.memory_space<vmem>>, vector<1x128xf32>
    %add3A_24 = vector.broadcast %get3A_23 : vector<1x128xf32> to vector<2000x128xf32>
    %add3A_25 = arith.addf %dot_general3A_20, %add3A_24 : vector<2000x128xf32>
    %max3A = arith.constant 0.000000e+00 : f32
    %max3A_26 = vector.broadcast %max3A : f32 to vector<2000x128xf32>
    %max3A_27 = arith.maximumf %add3A_25, %max3A_26 : vector<2000x128xf32>
    %mul3A_28 = vector.broadcast %get3A_1 : vector<2000x1xf32> to vector<2000x128xf32>
    %mul3A_29 = arith.mulf %mul3A_28, %max3A_27 : vector<2000x128xf32>
    %swap3A = arith.constant 0 : index
    %swap3A_30 = arith.constant 0 : index
    %swap3A_31 = vector.load %arg6[%swap3A, %swap3A_30] : memref<2000x128xf32, #tpu.memory_space<vmem>>, vector<2000x128xf32>
    tpu.vector_store %arg6[%swap3A, %swap3A_30], %mul3A_29 {strides = array<i32>} : memref<2000x128xf32, #tpu.memory_space<vmem>>, vector<2000x128xf32>,
    return
  }
  func.func @transform_0(%arg0: i32) -> (i32, i32, i32) {
    %c0_i32 = arith.constant 0 : i32
    %c0_i32_0 = arith.constant 0 : i32
    %c0_i32_1 = arith.constant 0 : i32
    return %c0_i32, %arg0, %c0_i32_0 : i32, i32, i32
  }
  func.func @transform_1(%arg0: i32) -> (i32, i32) {
    %c0_i32 = arith.constant 0 : i32
    %c0_i32_0 = arith.constant 0 : i32
    return %arg0, %c0_i32 : i32, i32
  }
  func.func @transform_2(%arg0: i32) -> (i32, i32) {
    %c0_i32 = arith.constant 0 : i32
    %c0_i32_0 = arith.constant 0 : i32
    return %arg0, %c0_i32 : i32, i32
  }
  func.func @transform_3(%arg0: i32) -> (i32, i32) {
    %c0_i32 = arith.constant 0 : i32
    %c0_i32_0 = arith.constant 0 : i32
    %c0_i32_1 = arith.constant 0 : i32
    return %c0_i32, %c0_i32_0 : i32, i32
  }
  func.func @transform_4(%arg0: i32) -> (i32, i32) {
    %c0_i32 = arith.constant 0 : i32
    %c0_i32_0 = arith.constant 0 : i32
    %c0_i32_1 = arith.constant 0 : i32
    return %c0_i32, %c0_i32_0 : i32, i32
  }
  func.func @transform_5(%arg0: i32) -> (i32, i32) {
    %c0_i32 = arith.constant 0 : i32
    %c0_i32_0 = arith.constant 0 : i32
    return %arg0, %c0_i32 : i32, i32
  }
}

module attributes {stable_mosaic.version = 14 : i64} {
  func.func @body(%arg0: i32, %arg1: memref<2x2000x128xf32, #tpu.memory_space<vmem>>, %arg2: memref<2000x128xf32, #tpu.memory_space<vmem>>, %arg3: memref<2000x16xf32, #tpu.memory_space<vmem>>, %arg4: memref<64x128xf32, #tpu.memory_space<vmem>>, %arg5: memref<1x128xf32, #tpu.memory_space<vmem>>, %arg6: memref<64x128xf32, #tpu.memory_space<vmem>>, %arg7: memref<1x128xf32, #tpu.memory_space<vmem>>, %arg8: memref<2000x128xf32, #tpu.memory_space<vmem>>, %arg9: memref<2000x128xf32, #tpu.memory_space<vmem>>) attributes {dimension_semantics = [#tpu.dimension_semantics<arbitrary>], iteration_bounds = array<i64: 5>, scalar_prefetch = 0 : i64, scratch_operands = 0 : i64, tpu.core_type = #tpu.core_type<tc>, window_params = [{transform_indices = @transform_0, window_bounds = array<i64: 2, 2000, 128>}, {transform_indices = @transform_1, window_bounds = array<i64: 2000, 128>}, {transform_indices = @transform_2, window_bounds = array<i64: 2000, 16>}, {pipeline_mode = #tpu.pipeline_mode<synchronous>, transform_indices = @transform_3, window_bounds = array<i64: 64, 128>}, {pipeline_mode = #tpu.pipeline_mode<synchronous>, transform_indices = @transform_4, window_bounds = array<i64: 1, 128>}, {pipeline_mode = #tpu.pipeline_mode<synchronous>, transform_indices = @transform_5, window_bounds = array<i64: 64, 128>}, {pipeline_mode = #tpu.pipeline_mode<synchronous>, transform_indices = @transform_6, window_bounds = array<i64: 1, 128>}, {transform_indices = @transform_7, window_bounds = array<i64: 2000, 128>}, {transform_indices = @transform_8, window_bounds = array<i64: 2000, 128>}]} {
    %get3A = arith.constant 0 : index
    %get3A_0 = arith.constant 0 : index
    %get3A_1 = vector.load %arg3[%get3A, %get3A_0] : memref<2000x16xf32, #tpu.memory_space<vmem>>, vector<2000x1xf32>
    %get3A_2 = arith.constant 0 : index
    %get3A_3 = arith.constant 0 : index
    %get3A_4 = arith.constant 0 : index
    %get3A_5 = vector.load %arg1[%get3A_2, %get3A_3, %get3A_4] : memref<2x2000x128xf32, #tpu.memory_space<vmem>>, vector<1x2000x128xf32>
    %get3A_6 = vector.shape_cast %get3A_5 : vector<1x2000x128xf32> to vector<2000x128xf32>
    %get3A_7 = arith.constant 1 : index
    %get3A_8 = arith.constant 0 : index
    %get3A_9 = arith.constant 0 : index
    %get3A_10 = vector.load %arg1[%get3A_7, %get3A_8, %get3A_9] : memref<2x2000x128xf32, #tpu.memory_space<vmem>>, vector<1x2000x128xf32>
    %get3A_11 = vector.shape_cast %get3A_10 : vector<1x2000x128xf32> to vector<2000x128xf32>
    %add3A = arith.addf %get3A_6, %get3A_11 : vector<2000x128xf32>
    %get3A_12 = arith.constant 0 : index
    %get3A_13 = arith.constant 0 : index
    %get3A_14 = vector.load %arg2[%get3A_12, %get3A_13] : memref<2000x128xf32, #tpu.memory_space<vmem>>, vector<2000x128xf32>
    %add3A_15 = arith.addf %add3A, %get3A_14 : vector<2000x128xf32>
    %mul3A = vector.broadcast %get3A_1 : vector<2000x1xf32> to vector<2000x128xf32>
    %mul3A_16 = arith.mulf %mul3A, %add3A_15 : vector<2000x128xf32>
    %slice3A = vector.extract_strided_slice %mul3A_16 {offsets = [0, 0], sizes = [2000, 64], strides = [1, 1]} : vector<2000x128xf32> to vector<2000x64xf32>
    %get3A_17 = arith.constant 0 : index
    %get3A_18 = arith.constant 0 : index
    %get3A_19 = vector.load %arg4[%get3A_17, %get3A_18] : memref<64x128xf32, #tpu.memory_space<vmem>>, vector<64x128xf32>
    %dot_general3A = arith.constant dense<0.000000e+00> : vector<2000x128xf32>
    %dot_general3A_20 = tpu.matmul %slice3A, %get3A_19, %dot_general3A {dimension_numbers = #tpu.dot_dimension_numbers<[1], [0], [0], [1], [0, 0, 1, 1], [], []>, transpose_lhs_hint = false} : vector<2000x64xf32>, vector<64x128xf32>, vector<2000x128xf32> -> vector<2000x128xf32>
    %get3A_21 = arith.constant 0 : index
    %get3A_22 = arith.constant 0 : index
    %get3A_23 = vector.load %arg5[%get3A_21, %get3A_22] : memref<1x128xf32, #tpu.memory_space<vmem>>, vector<1x128xf32>
    %add3A_24 = vector.broadcast %get3A_23 : vector<1x128xf32> to vector<2000x128xf32>
    %add3A_25 = arith.addf %dot_general3A_20, %add3A_24 : vector<2000x128xf32>
    %swap3A = arith.constant 0 : index
    %swap3A_26 = arith.constant 0 : index
    %swap3A_27 = vector.load %arg8[%swap3A, %swap3A_26] : memref<2000x128xf32, #tpu.memory_space<vmem>>, vector<2000x128xf32>
    tpu.vector_store %arg8[%swap3A, %swap3A_26], %add3A_25 {strides = array<i32>} : memref<2000x128xf32, #tpu.memory_space<vmem>>, vector<2000x128xf32>,
    %slice3A_28 = vector.extract_strided_slice %mul3A_16 {offsets = [0, 64], sizes = [2000, 64], strides = [1, 1]} : vector<2000x128xf32> to vector<2000x64xf32>
    %get3A_29 = arith.constant 0 : index
    %get3A_30 = arith.constant 0 : index
    %get3A_31 = vector.load %arg6[%get3A_29, %get3A_30] : memref<64x128xf32, #tpu.memory_space<vmem>>, vector<64x128xf32>
    %dot_general3A_32 = arith.constant dense<0.000000e+00> : vector<2000x128xf32>
    %dot_general3A_33 = tpu.matmul %slice3A_28, %get3A_31, %dot_general3A_32 {dimension_numbers = #tpu.dot_dimension_numbers<[1], [0], [0], [1], [0, 0, 1, 1], [], []>, transpose_lhs_hint = false} : vector<2000x64xf32>, vector<64x128xf32>, vector<2000x128xf32> -> vector<2000x128xf32>
    %get3A_34 = arith.constant 0 : index
    %get3A_35 = arith.constant 0 : index
    %get3A_36 = vector.load %arg7[%get3A_34, %get3A_35] : memref<1x128xf32, #tpu.memory_space<vmem>>, vector<1x128xf32>
    %add3A_37 = vector.broadcast %get3A_36 : vector<1x128xf32> to vector<2000x128xf32>
    %add3A_38 = arith.addf %dot_general3A_33, %add3A_37 : vector<2000x128xf32>
    %swap3A_39 = arith.constant 0 : index
    %swap3A_40 = arith.constant 0 : index
    %swap3A_41 = vector.load %arg9[%swap3A_39, %swap3A_40] : memref<2000x128xf32, #tpu.memory_space<vmem>>, vector<2000x128xf32>
    tpu.vector_store %arg9[%swap3A_39, %swap3A_40], %add3A_38 {strides = array<i32>} : memref<2000x128xf32, #tpu.memory_space<vmem>>, vector<2000x128xf32>,
    return
  }
  func.func @transform_0(%arg0: i32) -> (i32, i32, i32) {
    %c0_i32 = arith.constant 0 : i32
    %c0_i32_0 = arith.constant 0 : i32
    %c0_i32_1 = arith.constant 0 : i32
    return %c0_i32, %arg0, %c0_i32_0 : i32, i32, i32
  }
  func.func @transform_1(%arg0: i32) -> (i32, i32) {
    %c0_i32 = arith.constant 0 : i32
    %c0_i32_0 = arith.constant 0 : i32
    return %arg0, %c0_i32 : i32, i32
  }
  func.func @transform_2(%arg0: i32) -> (i32, i32) {
    %c0_i32 = arith.constant 0 : i32
    %c0_i32_0 = arith.constant 0 : i32
    return %arg0, %c0_i32 : i32, i32
  }
  func.func @transform_3(%arg0: i32) -> (i32, i32) {
    %c0_i32 = arith.constant 0 : i32
    %c0_i32_0 = arith.constant 0 : i32
    %c0_i32_1 = arith.constant 0 : i32
    return %c0_i32, %c0_i32_0 : i32, i32
  }
  func.func @transform_4(%arg0: i32) -> (i32, i32) {
    %c0_i32 = arith.constant 0 : i32
    %c0_i32_0 = arith.constant 0 : i32
    %c0_i32_1 = arith.constant 0 : i32
    return %c0_i32, %c0_i32_0 : i32, i32
  }
  func.func @transform_5(%arg0: i32) -> (i32, i32) {
    %c0_i32 = arith.constant 0 : i32
    %c0_i32_0 = arith.constant 0 : i32
    %c0_i32_1 = arith.constant 0 : i32
    return %c0_i32, %c0_i32_0 : i32, i32
  }
  func.func @transform_6(%arg0: i32) -> (i32, i32) {
    %c0_i32 = arith.constant 0 : i32
    %c0_i32_0 = arith.constant 0 : i32
    %c0_i32_1 = arith.constant 0 : i32
    return %c0_i32, %c0_i32_0 : i32, i32
  }
  func.func @transform_7(%arg0: i32) -> (i32, i32) {
    %c0_i32 = arith.constant 0 : i32
    %c0_i32_0 = arith.constant 0 : i32
    return %arg0, %c0_i32 : i32, i32
  }
  func.func @transform_8(%arg0: i32) -> (i32, i32) {
    %c0_i32 = arith.constant 0 : i32
    %c0_i32_0 = arith.constant 0 : i32
    return %arg0, %c0_i32 : i32, i32
  }
}

module attributes {stable_mosaic.version = 14 : i64} {
  func.func @body(%arg0: i32, %arg1: i32, %arg2: memref<1024x128xf32, #tpu.memory_space<vmem>>, %arg3: memref<1024x128xf32, #tpu.memory_space<vmem>>, %arg4: memref<1024x1024xf32, #tpu.memory_space<vmem>>) attributes {dimension_semantics = [#tpu.dimension_semantics<arbitrary>, #tpu.dimension_semantics<arbitrary>], iteration_bounds = array<i64: 10, 10>, scalar_prefetch = 0 : i64, scratch_operands = 0 : i64, tpu.core_type = #tpu.core_type<tc>, window_params = [{transform_indices = @transform_0, window_bounds = array<i64: 1024, 128>}, {transform_indices = @transform_1, window_bounds = array<i64: 1024, 128>}, {transform_indices = @transform_2, window_bounds = array<i64: 1024, 1024>}]} {
    %get3A = arith.constant 0 : index
    %get3A_0 = arith.constant 0 : index
    %get3A_1 = vector.load %arg2[%get3A, %get3A_0] : memref<1024x128xf32, #tpu.memory_space<vmem>>, vector<1024x128xf32>
    %get3A_2 = arith.constant 0 : index
    %get3A_3 = arith.constant 0 : index
    %get3A_4 = vector.load %arg3[%get3A_2, %get3A_3] : memref<1024x128xf32, #tpu.memory_space<vmem>>, vector<1024x128xf32>
    %dot_general3A = arith.constant dense<0.000000e+00> : vector<1024x1024xf32>
    %dot_general3A_5 = tpu.matmul %get3A_1, %get3A_4, %dot_general3A {dimension_numbers = #tpu.dot_dimension_numbers<[1], [1], [0], [0], [0, 0, 1, 0], [], []>, transpose_lhs_hint = false} : vector<1024x128xf32>, vector<1024x128xf32>, vector<1024x1024xf32> -> vector<1024x1024xf32>
    %swap3A = arith.constant 0 : index
    %swap3A_6 = arith.constant 0 : index
    %swap3A_7 = vector.load %arg4[%swap3A, %swap3A_6] : memref<1024x1024xf32, #tpu.memory_space<vmem>>, vector<1024x1024xf32>
    tpu.vector_store %arg4[%swap3A, %swap3A_6], %dot_general3A_5 {strides = array<i32>} : memref<1024x1024xf32, #tpu.memory_space<vmem>>, vector<1024x1024xf32>,
    return
  }
  func.func @transform_0(%arg0: i32, %arg1: i32) -> (i32, i32) {
    %c0_i32 = arith.constant 0 : i32
    %c0_i32_0 = arith.constant 0 : i32
    return %arg0, %c0_i32 : i32, i32
  }
  func.func @transform_1(%arg0: i32, %arg1: i32) -> (i32, i32) {
    %c0_i32 = arith.constant 0 : i32
    %c0_i32_0 = arith.constant 0 : i32
    return %arg1, %c0_i32 : i32, i32
  }
  func.func @transform_2(%arg0: i32, %arg1: i32) -> (i32, i32) {
    %c0_i32 = arith.constant 0 : i32
    return %arg0, %arg1 : i32, i32
  }
}

</mosaic_0001>

<sc_bundles>
// kernel: kernel.12.cloned.1.call-start
scs
__scs_entry_jumppad:
0x0: {  	(pc) =	sbr.rel $0x88, $3  }
0x1: {  	(tag) =	ssettag $0x0;
	lr =	simm.s32 $0x1  }
0x2: {  	[smem:$0x3F97] =	sst lr;
	_ =	strace $0xD0000000  }
0x3: {  	_ = 	snop  }
0x4: {  	_ = 	snop  }
0x5: {  	_ = 	snop  }
0x6: {  	_ = 	snop  }
0x7: {  	_ = 	snop  }
__scs_overlays_trampoline_lowered:
0x8: {  	[smem:$0x3FA6] =	sst s0  }
0x9: {  	[smem:$0x3FA7] =	sst s1  }
0xa: {  	[smem:$0x3FA8] =	sst s2  }
0xb: {  	[smem:$0x3FA9] =	sst s3  }
0xc: {  	[smem:$0x3FAA] =	sst s4  }
0xd: {  	[smem:$0x3FAB] =	sst s5  }
0xe: {  	[smem:$0x3FAC] =	sst s6  }
0xf: {  	[smem:$0x3FAD] =	sst s7  }
0x10: {  	[smem:$0x3FAE] =	sst s8  }
0x11: {  	[smem:$0x3FAF] =	sst s9;
	s0 =	simm.s32 @!p0 $0x0  }
0x12: {  	s1 =	sld [smem:$0x3F95];
	s0 =	simm.s32 @p0 $0x1  }
0x13: {  	[smem:$0x3FB0] =	sst s0;
	s0 =	simm.s32 @!p1 $0x0  }
0x14: {  	s2 =	sld [smem:$0x3F94];
	s0 =	simm.s32 @p1 $0x1  }
0x15: {  	[smem:$0x3FB1] =	sst s0;
	s0 =	simm.s32 @!p2 $0x0  }
0x16: {  	s3 =	sld [smem:$0x3FDB];
	s0 =	simm.s32 @p2 $0x1  }
0x17: {  	s4 =	simm.s32 $0x1BF5;
	[smem:$0x3FB3] =	sst s0  }
0x18: {  	s0 =	sld [smem:$0x3F96];
	_ =	swait.ge [sflag:s4], $0x0  }
0x19: {  	s7 =	sld [smem:$0x3F97]  }
0x1a: {  	s8 =	sadd.s32 $0xFFFFE003, lr  }
0x1b: {  	s9 =	sadd.s32 $0xFFFFFEF7, lr;
	s5 =	simm.s32 $0xFFFFFFFF;
	p2 =	slt.u32 s8, $0xFFFFF086  }
0x1c: {  	p1 =	slt.u32 s9, $0xF7A;
	s5 =	simm.s32 @!p2 $0x0  }
0x1d: {  	s5 =	simm.s32 @p1 $0x1;
	p0 =	seq.s32 s7, s2  }
0x1e: {  	s7 =	smul.u32 @!p0 $0xF7A, s2;
	p2 =	seq.s32 @!p0 s5, $0x0  }
0x1f: {  	s9 =	smul.u32 $0xF7A, s1;
	s8 =	simm.s32 @!p0 $0x1BF5;
	p2 =	por !p2, p0  }
0x20: {  	[sflag:s8] =	ssyncset.s32 @!p0 $0xFFFFF086;
	s6 =	sadd.s32 @!p0 s3, s7;
	s7 =	simm.s32 @!p0 $0x108  }
0x21: {  	s3 =	sadd.s32 s3, s9;
	s6 =	sadd.s32 @!p0 $0x88, s6;
	s7 =	simm.s32 @p2 $0x1082  }
0x22: {  	[simem:s7], [sflag:s8] =	dma.local @!p0 [hbm:s6], $0xF7A  }
0x23: {  	s9 =	sor.u32 $0xD0000000, s2;
	s6 =	simm.s32 $0x108;
	_ =	swait.ge @!p0 [sflag:s8], $0x0  }
0x24: {  	s3 =	sadd.s32 $0x88, s3;
	s6 =	simm.s32 @!p1 $0x1082;
	[sflag:s4] =	ssyncset.s32 $0xFFFFF086  }
0x25: {  	[simem:s6], [sflag:s4] =	dma.local [hbm:s3], $0xF7A  }
0x26: {  	[smem:$0x3F97] =	sst s1;
	(tag) =	ssettag s2;
	_ =	strace s9  }
0x27: {  	s1 =	sld [smem:$0x3FA7]  }
0x28: {  	s2 =	sld [smem:$0x3FA8]  }
0x29: {  	s4 =	sld [smem:$0x3FAA]  }
0x2a: {  	p0 =	seq.s32 s5, $0x0;
	s5 =	sld [smem:$0x3FAB]  }
0x2b: {  	s6 =	sld [smem:$0x3FAC]  }
0x2c: {  	s7 =	sld [smem:$0x3FAD]  }
0x2d: {  	s3 =	simm.s32 $0x108;
	s8 =	sld [smem:$0x3FAE]  }
0x2e: {  	s3 =	simm.s32 @!p0 $0x1082;
	s9 =	sld [smem:$0x3FAF]  }
0x2f: {  	lr =	sadd.s32 s0, s3;
	s0 =	sld [smem:$0x3FA6]  }
0x30: {  	s3 =	sld [smem:$0x3FA9]  }
0x31: {  	[smem:$0x3FB2] =	sst s10  }
0x32: {  	s10 =	sld [smem:$0x3FB0];
	_ =	sdelay $0x3  }
0x33: {  	p0 =	seq.s32 s10, $0x1;
	s10 =	sld [smem:$0x3FB2];
	_ =	sdelay $0x3  }
0x34: {  	[smem:$0x3FB2] =	sst s10  }
0x35: {  	s10 =	sld [smem:$0x3FB1];
	_ =	sdelay $0x3  }
0x36: {  	p1 =	seq.s32 s10, $0x1;
	s10 =	sld [smem:$0x3FB2];
	_ =	sdelay $0x3  }
0x37: {  	[smem:$0x3FB2] =	sst s10  }
0x38: {  	s10 =	sld [smem:$0x3FB3]  }
0x39: {  	_ = 	snop;
	(pc) =	sbr.ind lr, $3  }
0x3a: {  	_ = 	snop  }
0x3b: {  	_ = 	snop  }
0x3c: {  	p2 =	seq.s32 s10, $0x1;
	s10 =	sld [smem:$0x3FB2]  }
0x3d: {  	_ =	shalt  }
0x3e: {  	_ =	shalt  }
0x3f: {  	_ =	shalt  }
0x40: {  	_ =	shalt  }
0x41: {  	_ =	shalt  }
0x42: {  	_ =	shalt  }
0x43: {  	_ =	shalt  }
0x44: {  	_ =	shalt  }
0x45: {  	_ =	shalt  }
0x46: {  	_ =	shalt  }
0x47: {  	_ =	shalt  }
0x48: {  	_ =	shalt  }
0x49: {  	_ =	shalt  }
0x4a: {  	_ =	shalt  }
0x4b: {  	_ =	shalt  }
0x4c: {  	_ =	shalt  }
0x4d: {  	_ =	shalt  }
0x4e: {  	_ =	shalt  }
0x4f: {  	_ =	shalt  }
0x50: {  	_ =	shalt  }
0x51: {  	_ =	shalt  }
0x52: {  	_ =	shalt  }
0x53: {  	_ =	shalt  }
0x54: {  	_ =	shalt  }
0x55: {  	_ =	shalt  }
0x56: {  	_ =	shalt  }
0x57: {  	_ =	shalt  }
0x58: {  	_ =	shalt  }
0x59: {  	_ =	shalt  }
0x5a: {  	_ =	shalt  }
0x5b: {  	_ =	shalt  }
0x5c: {  	_ =	shalt  }
0x5d: {  	_ =	shalt  }
0x5e: {  	_ =	shalt  }
0x5f: {  	_ =	shalt  }
0x60: {  	_ =	shalt  }
0x61: {  	_ =	shalt  }
0x62: {  	_ =	shalt  }
0x63: {  	_ =	shalt  }
0x64: {  	_ =	shalt  }
0x65: {  	_ =	shalt  }
0x66: {  	_ =	shalt  }
0x67: {  	_ =	shalt  }
0x68: {  	_ =	shalt  }
0x69: {  	_ =	shalt  }
0x6a: {  	_ =	shalt  }
0x6b: {  	_ =	shalt  }
0x6c: {  	_ =	shalt  }
0x6d: {  	_ =	shalt  }
0x6e: {  	_ =	shalt  }
0x6f: {  	_ =	shalt  }
0x70: {  	_ =	shalt  }
0x71: {  	_ =	shalt  }
0x72: {  	_ =	shalt  }
0x73: {  	_ =	shalt  }
0x74: {  	_ =	shalt  }
0x75: {  	_ =	shalt  }
0x76: {  	_ =	shalt  }
0x77: {  	_ =	shalt  }
0x78: {  	_ =	shalt  }
0x79: {  	_ =	shalt  }
0x7a: {  	_ =	shalt  }
0x7b: {  	_ =	shalt  }
0x7c: {  	_ =	shalt  }
0x7d: {  	_ =	shalt  }
0x7e: {  	_ =	shalt  }
0x7f: {  	_ =	shalt  }
0x80: {  	_ =	shalt  }
0x81: {  	_ =	shalt  }
0x82: {  	_ =	shalt  }
0x83: {  	_ =	shalt  }
0x84: {  	_ =	shalt  }
0x85: {  	_ =	shalt  }
0x86: {  	_ =	shalt  }
0x87: {  	_ =	shalt  }
.Lfunc_end0:
.L_simem_size_0:
called_computation.1_lowered:
.L_overlay_start_0:
0x88: {  	s2 =	sld [smem:$0x3FD9]  }
0x89: {  	s3 =	sld [smem:$0x3FFE];
	_ =	sdelay $0x1  }
0x8a: {  	s1 =	srdreg.scid  }
0x8b: {  	s0 =	sand.u32 $0x1, s1  }
0x8c: {  	s14 =	sshll.u32 s0, $0xA;
	s2 =	sadd.s32 s3, s2  }
0x8d: {  	s2 =	sadd.s32 s2, s14  }
0x8e: {  	[smem:$0x3FBE] =	sst s2  }
0x8f: {  	_ = 	snop  }
0x90: {  	s2 =	sld [smem:$0x3FD0];
	_ =	sdelay $0x2  }
0x91: {  	s15 =	simm.s32 $0xA;
	s4 =	simm.s32 $0x10  }
0x92: {  	[smem:s4], [sflag:s15] =	dma.local [hbm:s2], $0x1  }
0x93: {  	_ =	swait.eq [sflag:s15], $0x1  }
0x94: {  	s16 =	sld [smem:$0x10];
	[sflag:s15] =	ssyncset.done $0x0  }
0x95: {  	s17 =	sld [smem:$0x11];
	[sflag:s15] =	ssyncadd.s32 $0xFFFFFFFF  }
0x96: {  	s18 =	sld [smem:$0x12];
	(tm) =	ssettm $0x1  }
0x97: {  	s5 =	sld [smem:$0x3FFB];
	_ =	sdelay $0x3  }
0x98: {  	_ =	strace s5  }
0x99: {  	s5 =	sld [smem:$0x3FFC];
	_ =	sdelay $0x3  }
0x9a: {  	_ =	strace s5  }
0x9b: {  	s5 =	sld [smem:$0x3FFD];
	_ =	sdelay $0x3  }
0x9c: {  	_ =	strace s5  }
0x9d: {  	_ =	strace $0x8FFFFFFF  }
0x9e: {  	s19 =	sld [smem:$0x3FDB];
	_ =	sdelay $0x1  }
0x9f: {  	s6 =	simm.s32 $_scs_section_size  }
0xa0: {  	s7 =	simm.s32 $_size__tile_overlayer_lowered;
	s8 =	simm.s32 $_tile_overlayer_lowered  }
0xa1: {  	s22 =	simm.s32 $0x1BFF;
	s21 =	sshll.u32 s8, $0x1;
	s5 =	sadd.s32 s6, s19  }
0xa2: {  	s9 =	simm.s32 $0x0;
	s20 =	sshll.u32 s7, $0x1;
	s7 =	sadd.s32 s21, s5  }
0xa3: {  	[timem:s9], [sflag:s22] =	dma.local [hbm:s7], s20  }
0xa4: {  	_ =	swait.ge [sflag:s22], s20  }
0xa5: {  	s6 =	ssub.s32 $0x0, s20;
	[sflag:s22] =	ssyncset.done $0x0  }
0xa6: {  	[sflag:s22] =	ssyncadd.s32 s6;
	_ =	sdelay $0x1  }
0xa7: {  	s23 =	simm.s32 $0x1B8B  }
0xa8: {  	_ =	swait.ge [sflag:s23], $0x1  }
0xa9: {  	[sflag:s23] =	ssyncset.done $0x0  }
0xaa: {  	s25 =	simm.s32 $0x1B8E;
	s24 =	sld [smem:$0x3FFE];
	[sflag:s23] =	ssyncadd.s32 $0xFFFFFFFF  }
0xab: {  	s26 =	simm.s32 $execute0_lowered;
	[smem:$0x3FD2] =	sst s25  }
0xac: {  	s7 =	sshll.u32 s26, $0x1;
	_ =	strace $0x80000049;
	[dreg:$0x1] =	wrdreg $0xFFFFFFFF  }
0xad: {  	s28 =	simm.s32 $_size_execute0_lowered;
	s5 =	sadd.s32 s5, s7;
	[dreg:$0x0] =	wrdreg $0x0  }
0xae: {  	s7 =	sshll.u32 s28, $0x1;
	[dreg:$0x2] =	wrdreg s5  }
0xaf: {  	[dreg:$0x3] =	wrdreg s7  }
0xb0: {  	[dreg:$0x4] =	wrdreg $0xC0  }
0xb1: {  	_ =	task [dreg:s9], $0x5FFFF  }
0xb2: {  	[dreg:$0x1] =	wrdreg $0xFFFFFFFF  }
0xb3: {  	[dreg:$0x0] =	wrdreg $0x60  }
0xb4: {  	[dreg:$0x2] =	wrdreg s18  }
0xb5: {  	[dreg:$0x3] =	wrdreg s24  }
0xb6: {  	[dreg:$0x4] =	wrdreg s16  }
0xb7: {  	[dreg:$0x5] =	wrdreg s17  }
0xb8: {  	[dreg:$0x6] =	wrdreg $0x9C000  }
0xb9: {  	[dreg:$0x7] =	wrdreg $0x9  }
0xba: {  	_ =	task.clear_ibuf [dreg:s9], $0x8FFFF;
	_ =	strace $0x90000049  }
0xbb: {  	s29 =	simm.s32 $0x9;
	_ =	strace $0x8000004B  }
0xbc: {  	_ =	swait.ge [sflag:s29], $0x1  }
0xbd: {  	[sflag:s29] =	ssyncadd.s32 $0xFFFFFFFF  }
0xbe: {  	_ =	strace $0x9000004B  }
0xbf: {  	_ =	sfence  }
0xc0: {  	s30 =	sld [smem:$0x0];
	_ =	sdelay $0x2  }
0xc1: {  	s31 =	sshll.u32 s1, $0xD;
	s1 =	sshrl.u32 s1, $0x2  }
0xc2: {  	s3 =	sand.u32 $0x4000, s31;
	s1 =	sadd.s32 s1, s30  }
0xc3: {  	s0 =	sor.u32 s3, s0;
	s1 =	sshll.u32 s1, $0x11  }
0xc4: {  	s0 =	sor.u32 s1, s0  }
0xc5: {  	s0 =	sadd.s32 $0x8F2B, s0  }
0xc6: {  	[sflag:s0] =	ssyncadd.remote.s32 $0x1  }
0xc7: {  	_ =	sfence.sel $0xFFFF  }
0xc8: {  	[dreg:$0x0] =	wrdreg $0xFFFFFFFF;
	(pc) =	sbr.abs _section_cstart, $3  }
0xc9: {  	[dreg:$0x1] =	wrdreg $0xFFFFFFFF  }
0xca: {  	_ =	task.clear_ibuf [dreg:s9], $0x2FFFF;
	_ =	strace $0x9FFFFFFF  }
0xcb: {  	(tm) =	ssettm $0x7FFFFFFF  }
tec
execute0_lowered:
.L_overlay_start_1:
0x0: {  	(tag) =	ssettag $0x1  }
0x1: {  	s1 =	rddreg [dreg:$0x0]  }
0x2: {  	s5 =	rddreg [dreg:$0x1]  }
0x3: {  	s8 =	rddreg [dreg:$0x2]  }
0x4: {  	s2 =	srdreg.scid;
	s10 =	rddreg [dreg:$0x3]  }
0x5: {  	s0 =	stileid.u32;
	s3 =	rddreg [dreg:$0x4];
	s4 =	simm.s32 $0x0  }
0x6: {  	s18 =	simm.s32 $0x6800;
	s19 =	simm.s32 $0x0;
	s9 =	smul.u32 $0x4F000, s0  }
0x7: {  	s6 =	sand.u32 $0x1, s2;
	s25 =	sshll.u32 s0, $0x1;
	s12 =	smul.u32 $0x2780, s0  }
0x8: {  	[smem:$0x7FF] =	sst s4;
	s28 =	smul.u32 $0x13C00, s0;
	s15 =	sadd.s32 $0x128400, s3  }
0x9: {  	p0 =	seq.s32 s0, $0xF;
	s2 =	sor.u32 s6, s25;
	s14 =	smul.u32 $0x138800, s6  }
0xa: {  	s11 =	ssub.s32 $0x2, s6;
	s17 =	sshll.u32 @!p0 s0, $0x6;
	s7 =	smul.u32 $0x680, s2  }
0xb: {  	s2 =	rddreg [dreg:$0x5];
	s13 =	sshrl.u32 s11, $0x1;
	s29 =	sshrl.u32 s9, $0x2  }
0xc: {  	_ =	strace $0x8000004A;
	s11 =	ssub.s32 s11, s13;
	s16 =	sadd.s32 s29, s3  }
0xd: {  	s30 =	sadd.s32 s28, s14;
	s31 =	sshrl.u32 s14, $0x3;
	s13 =	simm.s32 $0x3400  }
0xe: {  	s14 =	sshrl.u32 @p0 s15, $0x3;
	s15 =	sor.u32 @!p0 $0x1C01, s17;
	s17 =	simm.s32 $0x64  }
0xf: {  	s26 =	sadd.s32 s7, s5;
	s7 =	sadd.s32 s8, s12;
	s9 =	sshrl.u32 s30, $0x3  }
0x10: {  	s8 =	sadd.s32 $0x25080, s8;
	s11 =	smax.u32 s11, $0x1;
	s12 =	simm.s32 $0x1  }
0x11: {  	s16 =	sshrl.u32 @!p0 s16, $0x3;
	s9 =	sadd.s32 s10, s9;
	s10 =	sadd.s32 s10, s31  }
0x12: {  	s5 =	sadd.s32 $0x10000, s26;
	s6 =	sadd.s32 $0x3000, s26;
	s10 =	sadd.s32 $0x25080, s10  }
.LBB2_1:
0x13: {  	[tilespmem:s4], [sflag:$0x1] =	stream.linear.gather [hbm4b:s5+s4], $0x3200, $0x38;
	[tilespmem:$0x1D480] =	vst v63  }
0x14: {  	_ =	swait.ge [sflag:s12], $0x3200  }
0x15: {  	[sflag:s12] =	ssyncset.done $0x0  }
0x16: {  	[sflag:s12] =	ssyncadd.s32 $0xFFFFCE00  }
0x17: {  	[tilespmem:s13], [sflag:$0x1] =	stream.linear.gather [hbm4b:s6+s4], $0x3200, $0x38;
	[tilespmem:$0x1D480] =	vst v63  }
0x18: {  	_ =	swait.ge [sflag:s12], $0x3200  }
0x19: {  	[sflag:s12] =	ssyncset.done $0x0  }
0x1a: {  	s20 =	simm.s32 @p0 $0x1FC1;
	[sflag:s12] =	ssyncadd.s32 $0xFFFFCE00  }
0x1b: {  	[spmem:s14], [sflag:s20] =	dma.local @p0 [hbm:s8], $0x2080  }
0x1c: {  	s20 =	simm.s32 @p0 $0x1  }
0x1d: {  	_ =	swait.ge @p0 [sflag:s20], $0x2080  }
0x1e: {  	[sflag:s20] =	ssyncset.done @p0 $0x0  }
0x1f: {  	[sflag:s20] =	ssyncadd.s32 @p0 $0xFFFFDF80;
	s20 =	simm.s32 @!p0 $0x1  }
0x20: {  	[spmem:s16], [sflag:s15] =	dma.local @!p0 [hbm:s7], $0x2780  }
0x21: {  	_ =	swait.ge @!p0 [sflag:s20], $0x2780  }
0x22: {  	[sflag:s20] =	ssyncset.done @!p0 $0x0  }
0x23: {  	[sflag:s20] =	ssyncadd.s32 @!p0 $0xFFFFD880  }
0x24: {  	s30 =	simm.s32 $0x0;
	[bflag:$0x0] =	sbarrier.arrive $0xFFFF  }
0x25: {  	[tilespmem:s18], [sflag:$0x1] =	stream.indirect.gather [hbm4b:s1+s17], $0x80, s30, s17, $0xb8;
	[tilespmem:$0x1D480] =	vst v63  }
0x26: {  	_ =	swait.ge [sflag:s12], $0x3200  }
0x27: {  	[sflag:s12] =	ssyncset.done $0x0  }
0x28: {  	s31 =	simm.s32 $0x3400;
	[sflag:s12] =	ssyncadd.s32 $0xFFFFCE00  }
0x29: {  	[spmem:s3] =	stream.indirect.scatter.add.f32 [tilespmem:s18], [sflag:$0x1], $0x80, s31, s17, $0xb8;
	[tilespmem:$0x1D480] =	vst v63  }
0x2a: {  	_ =	swait.ge [sflag:s12], $0x3200  }
0x2b: {  	s21 =	simm.s32 $0x400;
	s20 =	simm.s32 $0x200;
	[sflag:s12] =	ssyncset.done $0x0  }
.LBB2_2:
0x2c: {  	s22 =	sshra.s32 s20, $0x2  }
0x2d: {  	[sflag:s12] =	ssyncadd.s32 $0xFFFFCE00;
	s20 =	smov.u32 s21;
	s23 =	sadd.s32 $0x200, s21  }
0x2e: {  	[tilespmem:s18], [sflag:$0x1] =	stream.indirect.gather [hbm4b:s1+s17], $0x80, s22, s17, $0xb8;
	[tilespmem:$0x1D480] =	vst v63  }
0x2f: {  	p1 =	sne.s32 s21, $0xC600;
	_ =	swait.ge [sflag:s12], $0x3200  }
.Ltmp0:
0x30: {  	[sflag:s12] =	ssyncset.done $0x0;
	(pc) =	sbr.rel @p1 .LBB2_2-.Ltmp0, $4  }
0x31: {  	s21 =	sadd.s32 $0x3400, s22;
	[sflag:s12] =	ssyncadd.s32 $0xFFFFCE00  }
0x32: {  	[spmem:s3] =	stream.indirect.scatter.add.f32 [tilespmem:s18], [sflag:$0x1], $0x80, s21, s17, $0xb8;
	[tilespmem:$0x1D480] =	vst v63  }
0x33: {  	_ =	swait.ge [sflag:s12], $0x3200  }
0x34: {  	s21 =	smov.u32 s23;
	[sflag:s12] =	ssyncset.done $0x0  }
0x35: {  	s20 =	sshra.s32 s20, $0x2;
	[sflag:s12] =	ssyncadd.s32 $0xFFFFCE00  }
0x36: {  	[tilespmem:s18], [sflag:$0x1] =	stream.indirect.gather [hbm4b:s1+s17], $0x80, s20, s17, $0xb8;
	[tilespmem:$0x1D480] =	vst v63  }
0x37: {  	_ =	swait.ge [sflag:s12], $0x3200  }
0x38: {  	[sflag:s12] =	ssyncset.done $0x0  }
0x39: {  	s20 =	sadd.s32 $0x3400, s20;
	[sflag:s12] =	ssyncadd.s32 $0xFFFFCE00  }
0x3a: {  	[spmem:s3] =	stream.indirect.scatter.add.f32 [tilespmem:s18], [sflag:$0x1], $0x80, s20, s17, $0xb8;
	[tilespmem:$0x1D480] =	vst v63  }
0x3b: {  	_ =	swait.ge [sflag:s12], $0x3200  }
0x3c: {  	[sflag:s12] =	ssyncset.done $0x0  }
0x3d: {  	[sflag:s12] =	ssyncadd.s32 $0xFFFFCE00  }
0x3e: {  	s20 =	simm.s32 @p0 $0x1FC1;
	[bflag:$0x0] =	sbarrier.arrive $0xFFFF  }
0x3f: {  	[hbm:s10], [sflag:s20] =	dma.local @p0 [spmem:s14], $0x2080  }
0x40: {  	s20 =	simm.s32 @p0 $0x1  }
0x41: {  	s19 =	sadd.s32 $0x1, s19;
	_ =	swait.ge @p0 [sflag:s20], $0x2080  }
0x42: {  	p1 =	sne.s32 s19, s11;
	[sflag:s20] =	ssyncset.done @p0 $0x0  }
.Ltmp1:
0x43: {  	[sflag:s20] =	ssyncadd.s32 @p0 $0xFFFFDF80;
	s20 =	simm.s32 @!p0 $0x1;
	(pc) =	sbr.rel @p1 .LBB2_1-.Ltmp1, $4  }
0x44: {  	[hbm:s9], [sflag:s15] =	dma.local @!p0 [spmem:s16], $0x2780  }
0x45: {  	_ =	swait.ge @!p0 [sflag:s20], $0x2780  }
0x46: {  	[sflag:s20] =	ssyncset.done @!p0 $0x0  }
0x47: {  	[sflag:s20] =	ssyncadd.s32 @!p0 $0xFFFFD880  }
0x48: {  	_ =	sfence.sel $0x180000  }
0x49: {  	[bflag:$0x0] =	sbarrier.arrive $0xFFFF  }
0x4a: {  	p0 =	sne.s32 s0, $0x0;
	_ =	strace $0x9000004A  }
0x4b: {  	s0 =	sadd.s32 @!p0 $0x100000, s2;
	[bflag:$0x2] =	sbarrier.arrive $0xFFFF  }
0x4c: {  	[sflag:s0] =	ssyncadd.tile.s32 @!p0 $0x1;
	_ =	shalt  }
.Lfunc_end2:
_tile_overlayer_lowered:
.L_overlay_start_2:
0x4d: {  	(tag) =	ssettag $0x2  }
0x4e: {  	s0 =	rddreg [dreg:$0x0];
	s2 =	stileid.u32  }
0x4f: {  	s1 =	rddreg [dreg:$0x1];
	p0 =	sne.s32 s2, $0x0  }
0x50: {  	s3 =	rddreg [dreg:$0x2];
	[bflag:$0x3] =	sbarrier.arrive $0xFFFF;
	s2 =	simm.s32 @!p0 $0x1C01  }
0x51: {  	[timem:s3], [sflag:s2] =	dma.local @!p0 [hbm:s0], s1  }
0x52: {  	s0 =	simm.s32 @!p0 $0x1  }
0x53: {  	_ =	swait.ge @!p0 [sflag:s0], s1  }
0x54: {  	s1 =	ssub.s32 @!p0 $0x0, s1;
	[sflag:s0] =	ssyncset.done @!p0 $0x0  }
0x55: {  	[sflag:s0] =	ssyncadd.s32 @!p0 s1  }
0x56: {  	[bflag:$0x3] =	sbarrier.arrive $0xFFFF  }
0x57: {  	_ =	shalt  }

// kernel: kernel.15.cloned.1.call-start
scs
__scs_entry_jumppad:
0x0: {  	(pc) =	sbr.rel $0x88, $3  }
0x1: {  	(tag) =	ssettag $0x0;
	lr =	simm.s32 $0x1  }
0x2: {  	[smem:$0x3F97] =	sst lr;
	_ =	strace $0xD0000000  }
0x3: {  	_ = 	snop  }
0x4: {  	_ = 	snop  }
0x5: {  	_ = 	snop  }
0x6: {  	_ = 	snop  }
0x7: {  	_ = 	snop  }
__scs_overlays_trampoline_lowered:
0x8: {  	[smem:$0x3FA6] =	sst s0  }
0x9: {  	[smem:$0x3FA7] =	sst s1  }
0xa: {  	[smem:$0x3FA8] =	sst s2  }
0xb: {  	[smem:$0x3FA9] =	sst s3  }
0xc: {  	[smem:$0x3FAA] =	sst s4  }
0xd: {  	[smem:$0x3FAB] =	sst s5  }
0xe: {  	[smem:$0x3FAC] =	sst s6  }
0xf: {  	[smem:$0x3FAD] =	sst s7  }
0x10: {  	[smem:$0x3FAE] =	sst s8  }
0x11: {  	[smem:$0x3FAF] =	sst s9;
	s0 =	simm.s32 @!p0 $0x0  }
0x12: {  	s1 =	sld [smem:$0x3F95];
	s0 =	simm.s32 @p0 $0x1  }
0x13: {  	[smem:$0x3FB0] =	sst s0;
	s0 =	simm.s32 @!p1 $0x0  }
0x14: {  	s2 =	sld [smem:$0x3F94];
	s0 =	simm.s32 @p1 $0x1  }
0x15: {  	[smem:$0x3FB1] =	sst s0;
	s0 =	simm.s32 @!p2 $0x0  }
0x16: {  	s3 =	sld [smem:$0x3FDB];
	s0 =	simm.s32 @p2 $0x1  }
0x17: {  	s4 =	simm.s32 $0x1BF5;
	[smem:$0x3FB3] =	sst s0  }
0x18: {  	s0 =	sld [smem:$0x3F96];
	_ =	swait.ge [sflag:s4], $0x0  }
0x19: {  	s7 =	sld [smem:$0x3F97]  }
0x1a: {  	s8 =	sadd.s32 $0xFFFFE003, lr  }
0x1b: {  	s9 =	sadd.s32 $0xFFFFFEF7, lr;
	s5 =	simm.s32 $0xFFFFFFFF;
	p2 =	slt.u32 s8, $0xFFFFF086  }
0x1c: {  	p1 =	slt.u32 s9, $0xF7A;
	s5 =	simm.s32 @!p2 $0x0  }
0x1d: {  	s5 =	simm.s32 @p1 $0x1;
	p0 =	seq.s32 s7, s2  }
0x1e: {  	s7 =	smul.u32 @!p0 $0xF7A, s2;
	p2 =	seq.s32 @!p0 s5, $0x0  }
0x1f: {  	s9 =	smul.u32 $0xF7A, s1;
	s8 =	simm.s32 @!p0 $0x1BF5;
	p2 =	por !p2, p0  }
0x20: {  	[sflag:s8] =	ssyncset.s32 @!p0 $0xFFFFF086;
	s6 =	sadd.s32 @!p0 s3, s7;
	s7 =	simm.s32 @!p0 $0x108  }
0x21: {  	s3 =	sadd.s32 s3, s9;
	s6 =	sadd.s32 @!p0 $0x88, s6;
	s7 =	simm.s32 @p2 $0x1082  }
0x22: {  	[simem:s7], [sflag:s8] =	dma.local @!p0 [hbm:s6], $0xF7A  }
0x23: {  	s9 =	sor.u32 $0xD0000000, s2;
	s6 =	simm.s32 $0x108;
	_ =	swait.ge @!p0 [sflag:s8], $0x0  }
0x24: {  	s3 =	sadd.s32 $0x88, s3;
	s6 =	simm.s32 @!p1 $0x1082;
	[sflag:s4] =	ssyncset.s32 $0xFFFFF086  }
0x25: {  	[simem:s6], [sflag:s4] =	dma.local [hbm:s3], $0xF7A  }
0x26: {  	[smem:$0x3F97] =	sst s1;
	(tag) =	ssettag s2;
	_ =	strace s9  }
0x27: {  	s1 =	sld [smem:$0x3FA7]  }
0x28: {  	s2 =	sld [smem:$0x3FA8]  }
0x29: {  	s4 =	sld [smem:$0x3FAA]  }
0x2a: {  	p0 =	seq.s32 s5, $0x0;
	s5 =	sld [smem:$0x3FAB]  }
0x2b: {  	s6 =	sld [smem:$0x3FAC]  }
0x2c: {  	s7 =	sld [smem:$0x3FAD]  }
0x2d: {  	s3 =	simm.s32 $0x108;
	s8 =	sld [smem:$0x3FAE]  }
0x2e: {  	s3 =	simm.s32 @!p0 $0x1082;
	s9 =	sld [smem:$0x3FAF]  }
0x2f: {  	lr =	sadd.s32 s0, s3;
	s0 =	sld [smem:$0x3FA6]  }
0x30: {  	s3 =	sld [smem:$0x3FA9]  }
0x31: {  	[smem:$0x3FB2] =	sst s10  }
0x32: {  	s10 =	sld [smem:$0x3FB0];
	_ =	sdelay $0x3  }
0x33: {  	p0 =	seq.s32 s10, $0x1;
	s10 =	sld [smem:$0x3FB2];
	_ =	sdelay $0x3  }
0x34: {  	[smem:$0x3FB2] =	sst s10  }
0x35: {  	s10 =	sld [smem:$0x3FB1];
	_ =	sdelay $0x3  }
0x36: {  	p1 =	seq.s32 s10, $0x1;
	s10 =	sld [smem:$0x3FB2];
	_ =	sdelay $0x3  }
0x37: {  	[smem:$0x3FB2] =	sst s10  }
0x38: {  	s10 =	sld [smem:$0x3FB3]  }
0x39: {  	_ = 	snop;
	(pc) =	sbr.ind lr, $3  }
0x3a: {  	_ = 	snop  }
0x3b: {  	_ = 	snop  }
0x3c: {  	p2 =	seq.s32 s10, $0x1;
	s10 =	sld [smem:$0x3FB2]  }
0x3d: {  	_ =	shalt  }
0x3e: {  	_ =	shalt  }
0x3f: {  	_ =	shalt  }
0x40: {  	_ =	shalt  }
0x41: {  	_ =	shalt  }
0x42: {  	_ =	shalt  }
0x43: {  	_ =	shalt  }
0x44: {  	_ =	shalt  }
0x45: {  	_ =	shalt  }
0x46: {  	_ =	shalt  }
0x47: {  	_ =	shalt  }
0x48: {  	_ =	shalt  }
0x49: {  	_ =	shalt  }
0x4a: {  	_ =	shalt  }
0x4b: {  	_ =	shalt  }
0x4c: {  	_ =	shalt  }
0x4d: {  	_ =	shalt  }
0x4e: {  	_ =	shalt  }
0x4f: {  	_ =	shalt  }
0x50: {  	_ =	shalt  }
0x51: {  	_ =	shalt  }
0x52: {  	_ =	shalt  }
0x53: {  	_ =	shalt  }
0x54: {  	_ =	shalt  }
0x55: {  	_ =	shalt  }
0x56: {  	_ =	shalt  }
0x57: {  	_ =	shalt  }
0x58: {  	_ =	shalt  }
0x59: {  	_ =	shalt  }
0x5a: {  	_ =	shalt  }
0x5b: {  	_ =	shalt  }
0x5c: {  	_ =	shalt  }
0x5d: {  	_ =	shalt  }
0x5e: {  	_ =	shalt  }
0x5f: {  	_ =	shalt  }
0x60: {  	_ =	shalt  }
0x61: {  	_ =	shalt  }
0x62: {  	_ =	shalt  }
0x63: {  	_ =	shalt  }
0x64: {  	_ =	shalt  }
0x65: {  	_ =	shalt  }
0x66: {  	_ =	shalt  }
0x67: {  	_ =	shalt  }
0x68: {  	_ =	shalt  }
0x69: {  	_ =	shalt  }
0x6a: {  	_ =	shalt  }
0x6b: {  	_ =	shalt  }
0x6c: {  	_ =	shalt  }
0x6d: {  	_ =	shalt  }
0x6e: {  	_ =	shalt  }
0x6f: {  	_ =	shalt  }
0x70: {  	_ =	shalt  }
0x71: {  	_ =	shalt  }
0x72: {  	_ =	shalt  }
0x73: {  	_ =	shalt  }
0x74: {  	_ =	shalt  }
0x75: {  	_ =	shalt  }
0x76: {  	_ =	shalt  }
0x77: {  	_ =	shalt  }
0x78: {  	_ =	shalt  }
0x79: {  	_ =	shalt  }
0x7a: {  	_ =	shalt  }
0x7b: {  	_ =	shalt  }
0x7c: {  	_ =	shalt  }
0x7d: {  	_ =	shalt  }
0x7e: {  	_ =	shalt  }
0x7f: {  	_ =	shalt  }
0x80: {  	_ =	shalt  }
0x81: {  	_ =	shalt  }
0x82: {  	_ =	shalt  }
0x83: {  	_ =	shalt  }
0x84: {  	_ =	shalt  }
0x85: {  	_ =	shalt  }
0x86: {  	_ =	shalt  }
0x87: {  	_ =	shalt  }
.Lfunc_end0:
.L_simem_size_0:
called_computation.2_lowered:
.L_overlay_start_0:
0x88: {  	s2 =	sld [smem:$0x3FD9]  }
0x89: {  	s3 =	sld [smem:$0x3FFE];
	_ =	sdelay $0x1  }
0x8a: {  	s1 =	srdreg.scid  }
0x8b: {  	s0 =	sand.u32 $0x1, s1  }
0x8c: {  	s14 =	sshll.u32 s0, $0xA;
	s2 =	sadd.s32 s3, s2  }
0x8d: {  	s2 =	sadd.s32 s2, s14  }
0x8e: {  	[smem:$0x3FBE] =	sst s2  }
0x8f: {  	_ = 	snop  }
0x90: {  	s2 =	sld [smem:$0x3FD0];
	_ =	sdelay $0x2  }
0x91: {  	s15 =	simm.s32 $0xA;
	s4 =	simm.s32 $0x10  }
0x92: {  	[smem:s4], [sflag:s15] =	dma.local [hbm:s2], $0x1  }
0x93: {  	_ =	swait.eq [sflag:s15], $0x1  }
0x94: {  	s16 =	sld [smem:$0x10];
	[sflag:s15] =	ssyncset.done $0x0  }
0x95: {  	s17 =	sld [smem:$0x11];
	[sflag:s15] =	ssyncadd.s32 $0xFFFFFFFF  }
0x96: {  	s18 =	sld [smem:$0x12];
	(tm) =	ssettm $0x1  }
0x97: {  	s5 =	sld [smem:$0x3FFB];
	_ =	sdelay $0x3  }
0x98: {  	_ =	strace s5  }
0x99: {  	s5 =	sld [smem:$0x3FFC];
	_ =	sdelay $0x3  }
0x9a: {  	_ =	strace s5  }
0x9b: {  	s5 =	sld [smem:$0x3FFD];
	_ =	sdelay $0x3  }
0x9c: {  	_ =	strace s5  }
0x9d: {  	_ =	strace $0x8FFFFFFF  }
0x9e: {  	s19 =	sld [smem:$0x3FDB];
	_ =	sdelay $0x1  }
0x9f: {  	s6 =	simm.s32 $_scs_section_size  }
0xa0: {  	s7 =	simm.s32 $_size__tile_overlayer_lowered;
	s8 =	simm.s32 $_tile_overlayer_lowered  }
0xa1: {  	s22 =	simm.s32 $0x1BFF;
	s21 =	sshll.u32 s8, $0x1;
	s5 =	sadd.s32 s6, s19  }
0xa2: {  	s9 =	simm.s32 $0x0;
	s20 =	sshll.u32 s7, $0x1;
	s7 =	sadd.s32 s21, s5  }
0xa3: {  	[timem:s9], [sflag:s22] =	dma.local [hbm:s7], s20  }
0xa4: {  	_ =	swait.ge [sflag:s22], s20  }
0xa5: {  	s6 =	ssub.s32 $0x0, s20;
	[sflag:s22] =	ssyncset.done $0x0  }
0xa6: {  	[sflag:s22] =	ssyncadd.s32 s6;
	_ =	sdelay $0x1  }
0xa7: {  	s23 =	simm.s32 $0x1B8B  }
0xa8: {  	_ =	swait.ge [sflag:s23], $0x1  }
0xa9: {  	[sflag:s23] =	ssyncset.done $0x0  }
0xaa: {  	s25 =	simm.s32 $0x1B8E;
	s24 =	sld [smem:$0x3FFE];
	[sflag:s23] =	ssyncadd.s32 $0xFFFFFFFF  }
0xab: {  	s26 =	simm.s32 $execute0_lowered;
	[smem:$0x3FD2] =	sst s25  }
0xac: {  	s7 =	sshll.u32 s26, $0x1;
	_ =	strace $0x8000004C;
	[dreg:$0x1] =	wrdreg $0xFFFFFFFF  }
0xad: {  	s28 =	simm.s32 $_size_execute0_lowered;
	s5 =	sadd.s32 s5, s7;
	[dreg:$0x0] =	wrdreg $0x0  }
0xae: {  	s7 =	sshll.u32 s28, $0x1;
	[dreg:$0x2] =	wrdreg s5  }
0xaf: {  	[dreg:$0x3] =	wrdreg s7  }
0xb0: {  	[dreg:$0x4] =	wrdreg $0xC0  }
0xb1: {  	_ =	task [dreg:s9], $0x5FFFF  }
0xb2: {  	[dreg:$0x1] =	wrdreg $0xFFFFFFFF  }
0xb3: {  	[dreg:$0x0] =	wrdreg $0x60  }
0xb4: {  	[dreg:$0x2] =	wrdreg s18  }
0xb5: {  	[dreg:$0x3] =	wrdreg s24  }
0xb6: {  	[dreg:$0x4] =	wrdreg s16  }
0xb7: {  	[dreg:$0x5] =	wrdreg s17  }
0xb8: {  	[dreg:$0x6] =	wrdreg $0x9C000  }
0xb9: {  	[dreg:$0x7] =	wrdreg $0x9  }
0xba: {  	_ =	task.clear_ibuf [dreg:s9], $0x8FFFF;
	_ =	strace $0x9000004C  }
0xbb: {  	s29 =	simm.s32 $0x9;
	_ =	strace $0x8000004E  }
0xbc: {  	_ =	swait.ge [sflag:s29], $0x1  }
0xbd: {  	[sflag:s29] =	ssyncadd.s32 $0xFFFFFFFF  }
0xbe: {  	_ =	strace $0x9000004E  }
0xbf: {  	_ =	sfence  }
0xc0: {  	s30 =	sld [smem:$0x0];
	_ =	sdelay $0x2  }
0xc1: {  	s31 =	sshll.u32 s1, $0xD;
	s1 =	sshrl.u32 s1, $0x2  }
0xc2: {  	s3 =	sand.u32 $0x4000, s31;
	s1 =	sadd.s32 s1, s30  }
0xc3: {  	s0 =	sor.u32 s3, s0;
	s1 =	sshll.u32 s1, $0x11  }
0xc4: {  	s0 =	sor.u32 s1, s0  }
0xc5: {  	s0 =	sadd.s32 $0x8F2B, s0  }
0xc6: {  	[sflag:s0] =	ssyncadd.remote.s32 $0x1  }
0xc7: {  	_ =	sfence.sel $0xFFFF  }
0xc8: {  	[dreg:$0x0] =	wrdreg $0xFFFFFFFF;
	(pc) =	sbr.abs _section_cstart, $3  }
0xc9: {  	[dreg:$0x1] =	wrdreg $0xFFFFFFFF  }
0xca: {  	_ =	task.clear_ibuf [dreg:s9], $0x2FFFF;
	_ =	strace $0x9FFFFFFF  }
0xcb: {  	(tm) =	ssettm $0x7FFFFFFF  }
tec
execute0_lowered:
.L_overlay_start_1:
0x0: {  	(tag) =	ssettag $0x1  }
0x1: {  	s1 =	rddreg [dreg:$0x0]  }
0x2: {  	s5 =	rddreg [dreg:$0x1]  }
0x3: {  	s8 =	rddreg [dreg:$0x2]  }
0x4: {  	s2 =	srdreg.scid;
	s10 =	rddreg [dreg:$0x3]  }
0x5: {  	s0 =	stileid.u32;
	s3 =	rddreg [dreg:$0x4];
	s4 =	simm.s32 $0x0  }
0x6: {  	s18 =	simm.s32 $0x6800;
	s19 =	simm.s32 $0x0;
	s9 =	smul.u32 $0x4F000, s0  }
0x7: {  	s6 =	sand.u32 $0x1, s2;
	s25 =	sshll.u32 s0, $0x1;
	s12 =	smul.u32 $0x2780, s0  }
0x8: {  	[smem:$0x7FF] =	sst s4;
	s28 =	smul.u32 $0x13C00, s0;
	s15 =	sadd.s32 $0x128400, s3  }
0x9: {  	p0 =	seq.s32 s0, $0xF;
	s2 =	sor.u32 s6, s25;
	s14 =	smul.u32 $0x138800, s6  }
0xa: {  	s11 =	ssub.s32 $0x2, s6;
	s17 =	sshll.u32 @!p0 s0, $0x6;
	s7 =	smul.u32 $0x680, s2  }
0xb: {  	s2 =	rddreg [dreg:$0x5];
	s13 =	sshrl.u32 s11, $0x1;
	s29 =	sshrl.u32 s9, $0x2  }
0xc: {  	_ =	strace $0x8000004D;
	s11 =	ssub.s32 s11, s13;
	s16 =	sadd.s32 s29, s3  }
0xd: {  	s30 =	sadd.s32 s28, s14;
	s31 =	sshrl.u32 s14, $0x3;
	s13 =	simm.s32 $0x3400  }
0xe: {  	s14 =	sshrl.u32 @p0 s15, $0x3;
	s15 =	sor.u32 @!p0 $0x1C01, s17;
	s17 =	simm.s32 $0x64  }
0xf: {  	s26 =	sadd.s32 s7, s5;
	s7 =	sadd.s32 s8, s12;
	s9 =	sshrl.u32 s30, $0x3  }
0x10: {  	s8 =	sadd.s32 $0x25080, s8;
	s11 =	smax.u32 s11, $0x1;
	s12 =	simm.s32 $0x1  }
0x11: {  	s16 =	sshrl.u32 @!p0 s16, $0x3;
	s9 =	sadd.s32 s10, s9;
	s10 =	sadd.s32 s10, s31  }
0x12: {  	s5 =	sadd.s32 $0x10000, s26;
	s6 =	sadd.s32 $0x3000, s26;
	s10 =	sadd.s32 $0x25080, s10  }
.LBB2_1:
0x13: {  	[tilespmem:s4], [sflag:$0x1] =	stream.linear.gather [hbm4b:s5+s4], $0x3200, $0x38;
	[tilespmem:$0x1D480] =	vst v63  }
0x14: {  	_ =	swait.ge [sflag:s12], $0x3200  }
0x15: {  	[sflag:s12] =	ssyncset.done $0x0  }
0x16: {  	[sflag:s12] =	ssyncadd.s32 $0xFFFFCE00  }
0x17: {  	[tilespmem:s13], [sflag:$0x1] =	stream.linear.gather [hbm4b:s6+s4], $0x3200, $0x38;
	[tilespmem:$0x1D480] =	vst v63  }
0x18: {  	_ =	swait.ge [sflag:s12], $0x3200  }
0x19: {  	[sflag:s12] =	ssyncset.done $0x0  }
0x1a: {  	s20 =	simm.s32 @p0 $0x1FC1;
	[sflag:s12] =	ssyncadd.s32 $0xFFFFCE00  }
0x1b: {  	[spmem:s14], [sflag:s20] =	dma.local @p0 [hbm:s8], $0x2080  }
0x1c: {  	s20 =	simm.s32 @p0 $0x1  }
0x1d: {  	_ =	swait.ge @p0 [sflag:s20], $0x2080  }
0x1e: {  	[sflag:s20] =	ssyncset.done @p0 $0x0  }
0x1f: {  	[sflag:s20] =	ssyncadd.s32 @p0 $0xFFFFDF80;
	s20 =	simm.s32 @!p0 $0x1  }
0x20: {  	[spmem:s16], [sflag:s15] =	dma.local @!p0 [hbm:s7], $0x2780  }
0x21: {  	_ =	swait.ge @!p0 [sflag:s20], $0x2780  }
0x22: {  	[sflag:s20] =	ssyncset.done @!p0 $0x0  }
0x23: {  	[sflag:s20] =	ssyncadd.s32 @!p0 $0xFFFFD880  }
0x24: {  	s30 =	simm.s32 $0x0;
	[bflag:$0x0] =	sbarrier.arrive $0xFFFF  }
0x25: {  	[tilespmem:s18], [sflag:$0x1] =	stream.indirect.gather [hbm4b:s1+s17], $0x80, s30, s17, $0xb8;
	[tilespmem:$0x1D480] =	vst v63  }
0x26: {  	_ =	swait.ge [sflag:s12], $0x3200  }
0x27: {  	[sflag:s12] =	ssyncset.done $0x0  }
0x28: {  	s31 =	simm.s32 $0x3400;
	[sflag:s12] =	ssyncadd.s32 $0xFFFFCE00  }
0x29: {  	[spmem:s3] =	stream.indirect.scatter.add.f32 [tilespmem:s18], [sflag:$0x1], $0x80, s31, s17, $0xb8;
	[tilespmem:$0x1D480] =	vst v63  }
0x2a: {  	_ =	swait.ge [sflag:s12], $0x3200  }
0x2b: {  	s21 =	simm.s32 $0x400;
	s20 =	simm.s32 $0x200;
	[sflag:s12] =	ssyncset.done $0x0  }
.LBB2_2:
0x2c: {  	s22 =	sshra.s32 s20, $0x2  }
0x2d: {  	[sflag:s12] =	ssyncadd.s32 $0xFFFFCE00;
	s20 =	smov.u32 s21;
	s23 =	sadd.s32 $0x200, s21  }
0x2e: {  	[tilespmem:s18], [sflag:$0x1] =	stream.indirect.gather [hbm4b:s1+s17], $0x80, s22, s17, $0xb8;
	[tilespmem:$0x1D480] =	vst v63  }
0x2f: {  	p1 =	sne.s32 s21, $0xC600;
	_ =	swait.ge [sflag:s12], $0x3200  }
.Ltmp0:
0x30: {  	[sflag:s12] =	ssyncset.done $0x0;
	(pc) =	sbr.rel @p1 .LBB2_2-.Ltmp0, $4  }
0x31: {  	s21 =	sadd.s32 $0x3400, s22;
	[sflag:s12] =	ssyncadd.s32 $0xFFFFCE00  }
0x32: {  	[spmem:s3] =	stream.indirect.scatter.add.f32 [tilespmem:s18], [sflag:$0x1], $0x80, s21, s17, $0xb8;
	[tilespmem:$0x1D480] =	vst v63  }
0x33: {  	_ =	swait.ge [sflag:s12], $0x3200  }
0x34: {  	s21 =	smov.u32 s23;
	[sflag:s12] =	ssyncset.done $0x0  }
0x35: {  	s20 =	sshra.s32 s20, $0x2;
	[sflag:s12] =	ssyncadd.s32 $0xFFFFCE00  }
0x36: {  	[tilespmem:s18], [sflag:$0x1] =	stream.indirect.gather [hbm4b:s1+s17], $0x80, s20, s17, $0xb8;
	[tilespmem:$0x1D480] =	vst v63  }
0x37: {  	_ =	swait.ge [sflag:s12], $0x3200  }
0x38: {  	[sflag:s12] =	ssyncset.done $0x0  }
0x39: {  	s20 =	sadd.s32 $0x3400, s20;
	[sflag:s12] =	ssyncadd.s32 $0xFFFFCE00  }
0x3a: {  	[spmem:s3] =	stream.indirect.scatter.add.f32 [tilespmem:s18], [sflag:$0x1], $0x80, s20, s17, $0xb8;
	[tilespmem:$0x1D480] =	vst v63  }
0x3b: {  	_ =	swait.ge [sflag:s12], $0x3200  }
0x3c: {  	[sflag:s12] =	ssyncset.done $0x0  }
0x3d: {  	[sflag:s12] =	ssyncadd.s32 $0xFFFFCE00  }
0x3e: {  	s20 =	simm.s32 @p0 $0x1FC1;
	[bflag:$0x0] =	sbarrier.arrive $0xFFFF  }
0x3f: {  	[hbm:s10], [sflag:s20] =	dma.local @p0 [spmem:s14], $0x2080  }
0x40: {  	s20 =	simm.s32 @p0 $0x1  }
0x41: {  	s19 =	sadd.s32 $0x1, s19;
	_ =	swait.ge @p0 [sflag:s20], $0x2080  }
0x42: {  	p1 =	sne.s32 s19, s11;
	[sflag:s20] =	ssyncset.done @p0 $0x0  }
.Ltmp1:
0x43: {  	[sflag:s20] =	ssyncadd.s32 @p0 $0xFFFFDF80;
	s20 =	simm.s32 @!p0 $0x1;
	(pc) =	sbr.rel @p1 .LBB2_1-.Ltmp1, $4  }
0x44: {  	[hbm:s9], [sflag:s15] =	dma.local @!p0 [spmem:s16], $0x2780  }
0x45: {  	_ =	swait.ge @!p0 [sflag:s20], $0x2780  }
0x46: {  	[sflag:s20] =	ssyncset.done @!p0 $0x0  }
0x47: {  	[sflag:s20] =	ssyncadd.s32 @!p0 $0xFFFFD880  }
0x48: {  	_ =	sfence.sel $0x180000  }
0x49: {  	[bflag:$0x0] =	sbarrier.arrive $0xFFFF  }
0x4a: {  	p0 =	sne.s32 s0, $0x0;
	_ =	strace $0x9000004D  }
0x4b: {  	s0 =	sadd.s32 @!p0 $0x100000, s2;
	[bflag:$0x2] =	sbarrier.arrive $0xFFFF  }
0x4c: {  	[sflag:s0] =	ssyncadd.tile.s32 @!p0 $0x1;
	_ =	shalt  }
.Lfunc_end2:
_tile_overlayer_lowered:
.L_overlay_start_2:
0x4d: {  	(tag) =	ssettag $0x2  }
0x4e: {  	s0 =	rddreg [dreg:$0x0];
	s2 =	stileid.u32  }
0x4f: {  	s1 =	rddreg [dreg:$0x1];
	p0 =	sne.s32 s2, $0x0  }
0x50: {  	s3 =	rddreg [dreg:$0x2];
	[bflag:$0x3] =	sbarrier.arrive $0xFFFF;
	s2 =	simm.s32 @!p0 $0x1C01  }
0x51: {  	[timem:s3], [sflag:s2] =	dma.local @!p0 [hbm:s0], s1  }
0x52: {  	s0 =	simm.s32 @!p0 $0x1  }
0x53: {  	_ =	swait.ge @!p0 [sflag:s0], s1  }
0x54: {  	s1 =	ssub.s32 @!p0 $0x0, s1;
	[sflag:s0] =	ssyncset.done @!p0 $0x0  }
0x55: {  	[sflag:s0] =	ssyncadd.s32 @!p0 s1  }
0x56: {  	[bflag:$0x3] =	sbarrier.arrive $0xFFFF  }
0x57: {  	_ =	shalt  }

// kernel: kernel.9.cloned.1.call-start
scs
__scs_entry_jumppad:
0x0: {  	(pc) =	sbr.rel $0x88, $3  }
0x1: {  	(tag) =	ssettag $0x0;
	lr =	simm.s32 $0x1  }
0x2: {  	[smem:$0x3F97] =	sst lr;
	_ =	strace $0xD0000000  }
0x3: {  	_ = 	snop  }
0x4: {  	_ = 	snop  }
0x5: {  	_ = 	snop  }
0x6: {  	_ = 	snop  }
0x7: {  	_ = 	snop  }
__scs_overlays_trampoline_lowered:
0x8: {  	[smem:$0x3FA6] =	sst s0  }
0x9: {  	[smem:$0x3FA7] =	sst s1  }
0xa: {  	[smem:$0x3FA8] =	sst s2  }
0xb: {  	[smem:$0x3FA9] =	sst s3  }
0xc: {  	[smem:$0x3FAA] =	sst s4  }
0xd: {  	[smem:$0x3FAB] =	sst s5  }
0xe: {  	[smem:$0x3FAC] =	sst s6  }
0xf: {  	[smem:$0x3FAD] =	sst s7  }
0x10: {  	[smem:$0x3FAE] =	sst s8  }
0x11: {  	[smem:$0x3FAF] =	sst s9;
	s0 =	simm.s32 @!p0 $0x0  }
0x12: {  	s1 =	sld [smem:$0x3F95];
	s0 =	simm.s32 @p0 $0x1  }
0x13: {  	[smem:$0x3FB0] =	sst s0;
	s0 =	simm.s32 @!p1 $0x0  }
0x14: {  	s2 =	sld [smem:$0x3F94];
	s0 =	simm.s32 @p1 $0x1  }
0x15: {  	[smem:$0x3FB1] =	sst s0;
	s0 =	simm.s32 @!p2 $0x0  }
0x16: {  	s3 =	sld [smem:$0x3FDB];
	s0 =	simm.s32 @p2 $0x1  }
0x17: {  	s4 =	simm.s32 $0x1BF5;
	[smem:$0x3FB3] =	sst s0  }
0x18: {  	s0 =	sld [smem:$0x3F96];
	_ =	swait.ge [sflag:s4], $0x0  }
0x19: {  	s7 =	sld [smem:$0x3F97]  }
0x1a: {  	s8 =	sadd.s32 $0xFFFFE003, lr  }
0x1b: {  	s9 =	sadd.s32 $0xFFFFFEF7, lr;
	s5 =	simm.s32 $0xFFFFFFFF;
	p2 =	slt.u32 s8, $0xFFFFF086  }
0x1c: {  	p1 =	slt.u32 s9, $0xF7A;
	s5 =	simm.s32 @!p2 $0x0  }
0x1d: {  	s5 =	simm.s32 @p1 $0x1;
	p0 =	seq.s32 s7, s2  }
0x1e: {  	s7 =	smul.u32 @!p0 $0xF7A, s2;
	p2 =	seq.s32 @!p0 s5, $0x0  }
0x1f: {  	s9 =	smul.u32 $0xF7A, s1;
	s8 =	simm.s32 @!p0 $0x1BF5;
	p2 =	por !p2, p0  }
0x20: {  	[sflag:s8] =	ssyncset.s32 @!p0 $0xFFFFF086;
	s6 =	sadd.s32 @!p0 s3, s7;
	s7 =	simm.s32 @!p0 $0x108  }
0x21: {  	s3 =	sadd.s32 s3, s9;
	s6 =	sadd.s32 @!p0 $0x88, s6;
	s7 =	simm.s32 @p2 $0x1082  }
0x22: {  	[simem:s7], [sflag:s8] =	dma.local @!p0 [hbm:s6], $0xF7A  }
0x23: {  	s9 =	sor.u32 $0xD0000000, s2;
	s6 =	simm.s32 $0x108;
	_ =	swait.ge @!p0 [sflag:s8], $0x0  }
0x24: {  	s3 =	sadd.s32 $0x88, s3;
	s6 =	simm.s32 @!p1 $0x1082;
	[sflag:s4] =	ssyncset.s32 $0xFFFFF086  }
0x25: {  	[simem:s6], [sflag:s4] =	dma.local [hbm:s3], $0xF7A  }
0x26: {  	[smem:$0x3F97] =	sst s1;
	(tag) =	ssettag s2;
	_ =	strace s9  }
0x27: {  	s1 =	sld [smem:$0x3FA7]  }
0x28: {  	s2 =	sld [smem:$0x3FA8]  }
0x29: {  	s4 =	sld [smem:$0x3FAA]  }
0x2a: {  	p0 =	seq.s32 s5, $0x0;
	s5 =	sld [smem:$0x3FAB]  }
0x2b: {  	s6 =	sld [smem:$0x3FAC]  }
0x2c: {  	s7 =	sld [smem:$0x3FAD]  }
0x2d: {  	s3 =	simm.s32 $0x108;
	s8 =	sld [smem:$0x3FAE]  }
0x2e: {  	s3 =	simm.s32 @!p0 $0x1082;
	s9 =	sld [smem:$0x3FAF]  }
0x2f: {  	lr =	sadd.s32 s0, s3;
	s0 =	sld [smem:$0x3FA6]  }
0x30: {  	s3 =	sld [smem:$0x3FA9]  }
0x31: {  	[smem:$0x3FB2] =	sst s10  }
0x32: {  	s10 =	sld [smem:$0x3FB0];
	_ =	sdelay $0x3  }
0x33: {  	p0 =	seq.s32 s10, $0x1;
	s10 =	sld [smem:$0x3FB2];
	_ =	sdelay $0x3  }
0x34: {  	[smem:$0x3FB2] =	sst s10  }
0x35: {  	s10 =	sld [smem:$0x3FB1];
	_ =	sdelay $0x3  }
0x36: {  	p1 =	seq.s32 s10, $0x1;
	s10 =	sld [smem:$0x3FB2];
	_ =	sdelay $0x3  }
0x37: {  	[smem:$0x3FB2] =	sst s10  }
0x38: {  	s10 =	sld [smem:$0x3FB3]  }
0x39: {  	_ = 	snop;
	(pc) =	sbr.ind lr, $3  }
0x3a: {  	_ = 	snop  }
0x3b: {  	_ = 	snop  }
0x3c: {  	p2 =	seq.s32 s10, $0x1;
	s10 =	sld [smem:$0x3FB2]  }
0x3d: {  	_ =	shalt  }
0x3e: {  	_ =	shalt  }
0x3f: {  	_ =	shalt  }
0x40: {  	_ =	shalt  }
0x41: {  	_ =	shalt  }
0x42: {  	_ =	shalt  }
0x43: {  	_ =	shalt  }
0x44: {  	_ =	shalt  }
0x45: {  	_ =	shalt  }
0x46: {  	_ =	shalt  }
0x47: {  	_ =	shalt  }
0x48: {  	_ =	shalt  }
0x49: {  	_ =	shalt  }
0x4a: {  	_ =	shalt  }
0x4b: {  	_ =	shalt  }
0x4c: {  	_ =	shalt  }
0x4d: {  	_ =	shalt  }
0x4e: {  	_ =	shalt  }
0x4f: {  	_ =	shalt  }
0x50: {  	_ =	shalt  }
0x51: {  	_ =	shalt  }
0x52: {  	_ =	shalt  }
0x53: {  	_ =	shalt  }
0x54: {  	_ =	shalt  }
0x55: {  	_ =	shalt  }
0x56: {  	_ =	shalt  }
0x57: {  	_ =	shalt  }
0x58: {  	_ =	shalt  }
0x59: {  	_ =	shalt  }
0x5a: {  	_ =	shalt  }
0x5b: {  	_ =	shalt  }
0x5c: {  	_ =	shalt  }
0x5d: {  	_ =	shalt  }
0x5e: {  	_ =	shalt  }
0x5f: {  	_ =	shalt  }
0x60: {  	_ =	shalt  }
0x61: {  	_ =	shalt  }
0x62: {  	_ =	shalt  }
0x63: {  	_ =	shalt  }
0x64: {  	_ =	shalt  }
0x65: {  	_ =	shalt  }
0x66: {  	_ =	shalt  }
0x67: {  	_ =	shalt  }
0x68: {  	_ =	shalt  }
0x69: {  	_ =	shalt  }
0x6a: {  	_ =	shalt  }
0x6b: {  	_ =	shalt  }
0x6c: {  	_ =	shalt  }
0x6d: {  	_ =	shalt  }
0x6e: {  	_ =	shalt  }
0x6f: {  	_ =	shalt  }
0x70: {  	_ =	shalt  }
0x71: {  	_ =	shalt  }
0x72: {  	_ =	shalt  }
0x73: {  	_ =	shalt  }
0x74: {  	_ =	shalt  }
0x75: {  	_ =	shalt  }
0x76: {  	_ =	shalt  }
0x77: {  	_ =	shalt  }
0x78: {  	_ =	shalt  }
0x79: {  	_ =	shalt  }
0x7a: {  	_ =	shalt  }
0x7b: {  	_ =	shalt  }
0x7c: {  	_ =	shalt  }
0x7d: {  	_ =	shalt  }
0x7e: {  	_ =	shalt  }
0x7f: {  	_ =	shalt  }
0x80: {  	_ =	shalt  }
0x81: {  	_ =	shalt  }
0x82: {  	_ =	shalt  }
0x83: {  	_ =	shalt  }
0x84: {  	_ =	shalt  }
0x85: {  	_ =	shalt  }
0x86: {  	_ =	shalt  }
0x87: {  	_ =	shalt  }
.Lfunc_end0:
.L_simem_size_0:
called_computation_lowered:
.L_overlay_start_0:
0x88: {  	s2 =	sld [smem:$0x3FD9]  }
0x89: {  	s3 =	sld [smem:$0x3FFE];
	_ =	sdelay $0x1  }
0x8a: {  	s1 =	srdreg.scid  }
0x8b: {  	s0 =	sand.u32 $0x1, s1  }
0x8c: {  	s14 =	sshll.u32 s0, $0xA;
	s2 =	sadd.s32 s3, s2  }
0x8d: {  	s2 =	sadd.s32 s2, s14  }
0x8e: {  	[smem:$0x3FBE] =	sst s2  }
0x8f: {  	_ = 	snop  }
0x90: {  	s2 =	sld [smem:$0x3FD0];
	_ =	sdelay $0x2  }
0x91: {  	s15 =	simm.s32 $0xA;
	s4 =	simm.s32 $0x10  }
0x92: {  	[smem:s4], [sflag:s15] =	dma.local [hbm:s2], $0x1  }
0x93: {  	_ =	swait.eq [sflag:s15], $0x1  }
0x94: {  	s16 =	sld [smem:$0x10];
	[sflag:s15] =	ssyncset.done $0x0  }
0x95: {  	s17 =	sld [smem:$0x11];
	[sflag:s15] =	ssyncadd.s32 $0xFFFFFFFF  }
0x96: {  	s18 =	sld [smem:$0x12];
	(tm) =	ssettm $0x1  }
0x97: {  	s5 =	sld [smem:$0x3FFB];
	_ =	sdelay $0x3  }
0x98: {  	_ =	strace s5  }
0x99: {  	s5 =	sld [smem:$0x3FFC];
	_ =	sdelay $0x3  }
0x9a: {  	_ =	strace s5  }
0x9b: {  	s5 =	sld [smem:$0x3FFD];
	_ =	sdelay $0x3  }
0x9c: {  	_ =	strace s5  }
0x9d: {  	_ =	strace $0x8FFFFFFF  }
0x9e: {  	s19 =	sld [smem:$0x3FDB];
	_ =	sdelay $0x1  }
0x9f: {  	s6 =	simm.s32 $_scs_section_size  }
0xa0: {  	s7 =	simm.s32 $_size__tile_overlayer_lowered;
	s8 =	simm.s32 $_tile_overlayer_lowered  }
0xa1: {  	s22 =	simm.s32 $0x1BFF;
	s21 =	sshll.u32 s8, $0x1;
	s5 =	sadd.s32 s6, s19  }
0xa2: {  	s9 =	simm.s32 $0x0;
	s20 =	sshll.u32 s7, $0x1;
	s7 =	sadd.s32 s21, s5  }
0xa3: {  	[timem:s9], [sflag:s22] =	dma.local [hbm:s7], s20  }
0xa4: {  	_ =	swait.ge [sflag:s22], s20  }
0xa5: {  	s6 =	ssub.s32 $0x0, s20;
	[sflag:s22] =	ssyncset.done $0x0  }
0xa6: {  	[sflag:s22] =	ssyncadd.s32 s6;
	_ =	sdelay $0x1  }
0xa7: {  	s23 =	simm.s32 $0x1B8B  }
0xa8: {  	_ =	swait.ge [sflag:s23], $0x1  }
0xa9: {  	[sflag:s23] =	ssyncset.done $0x0  }
0xaa: {  	s25 =	simm.s32 $0x1B8E;
	s24 =	sld [smem:$0x3FFE];
	[sflag:s23] =	ssyncadd.s32 $0xFFFFFFFF  }
0xab: {  	s26 =	simm.s32 $execute0_lowered;
	[smem:$0x3FD2] =	sst s25  }
0xac: {  	s7 =	sshll.u32 s26, $0x1;
	_ =	strace $0x80000046;
	[dreg:$0x1] =	wrdreg $0xFFFFFFFF  }
0xad: {  	s28 =	simm.s32 $_size_execute0_lowered;
	s5 =	sadd.s32 s5, s7;
	[dreg:$0x0] =	wrdreg $0x0  }
0xae: {  	s7 =	sshll.u32 s28, $0x1;
	[dreg:$0x2] =	wrdreg s5  }
0xaf: {  	[dreg:$0x3] =	wrdreg s7  }
0xb0: {  	[dreg:$0x4] =	wrdreg $0xC0  }
0xb1: {  	_ =	task [dreg:s9], $0x5FFFF  }
0xb2: {  	[dreg:$0x1] =	wrdreg $0xFFFFFFFF  }
0xb3: {  	[dreg:$0x0] =	wrdreg $0x60  }
0xb4: {  	[dreg:$0x2] =	wrdreg s24  }
0xb5: {  	[dreg:$0x3] =	wrdreg s16  }
0xb6: {  	[dreg:$0x4] =	wrdreg s18  }
0xb7: {  	[dreg:$0x5] =	wrdreg s17  }
0xb8: {  	[dreg:$0x6] =	wrdreg $0x68000  }
0xb9: {  	[dreg:$0x7] =	wrdreg $0x9  }
0xba: {  	_ =	task.clear_ibuf [dreg:s9], $0x8FFFF;
	_ =	strace $0x90000046  }
0xbb: {  	s29 =	simm.s32 $0x9;
	_ =	strace $0x80000048  }
0xbc: {  	_ =	swait.ge [sflag:s29], $0x1  }
0xbd: {  	[sflag:s29] =	ssyncadd.s32 $0xFFFFFFFF  }
0xbe: {  	_ =	strace $0x90000048  }
0xbf: {  	_ =	sfence  }
0xc0: {  	s30 =	sld [smem:$0x0];
	_ =	sdelay $0x2  }
0xc1: {  	s31 =	sshll.u32 s1, $0xD;
	s1 =	sshrl.u32 s1, $0x2  }
0xc2: {  	s3 =	sand.u32 $0x4000, s31;
	s1 =	sadd.s32 s1, s30  }
0xc3: {  	s0 =	sor.u32 s3, s0;
	s1 =	sshll.u32 s1, $0x11  }
0xc4: {  	s0 =	sor.u32 s1, s0  }
0xc5: {  	s0 =	sadd.s32 $0x8F2B, s0  }
0xc6: {  	[sflag:s0] =	ssyncadd.remote.s32 $0x1  }
0xc7: {  	_ =	sfence.sel $0xFFFF  }
0xc8: {  	[dreg:$0x0] =	wrdreg $0xFFFFFFFF;
	(pc) =	sbr.abs _section_cstart, $3  }
0xc9: {  	[dreg:$0x1] =	wrdreg $0xFFFFFFFF  }
0xca: {  	_ =	task.clear_ibuf [dreg:s9], $0x2FFFF;
	_ =	strace $0x9FFFFFFF  }
0xcb: {  	(tm) =	ssettm $0x7FFFFFFF  }
tec
execute0_lowered:
.L_overlay_start_1:
0x0: {  	(tag) =	ssettag $0x1  }
0x1: {  	s5 =	rddreg [dreg:$0x0]  }
0x2: {  	s1 =	rddreg [dreg:$0x1]  }
0x3: {  	s7 =	rddreg [dreg:$0x2];
	s2 =	srdreg.scid  }
0x4: {  	s0 =	stileid.u32;
	s8 =	rddreg [dreg:$0x3]  }
0x5: {  	s3 =	rddreg [dreg:$0x4];
	s4 =	simm.s32 $0x0;
	s17 =	simm.s32 $0x0  }
0x6: {  	s6 =	sand.u32 $0x1, s2;
	s2 =	rddreg [dreg:$0x5];
	s10 =	smul.u32 $0x4F000, s0  }
0x7: {  	s26 =	sshll.u32 s0, $0x1;
	[smem:$0x7FF] =	sst s4;
	s12 =	smul.u32 $0x2780, s0  }
0x8: {  	s30 =	smul.u32 $0x13C00, s0;
	s14 =	sadd.s32 $0x128400, s3;
	p0 =	seq.s32 s0, $0xF  }
0x9: {  	s9 =	sor.u32 s6, s26;
	_ =	strace $0x80000047;
	s13 =	smul.u32 $0x138800, s6  }
0xa: {  	s11 =	ssub.s32 $0x2, s6;
	s16 =	sshll.u32 @!p0 s0, $0x6;
	s9 =	smul.u32 $0x680, s9  }
0xb: {  	s28 =	sshrl.u32 s11, $0x1;
	s29 =	sshrl.u32 s10, $0x2;
	s6 =	sadd.s32 s7, s12  }
0xc: {  	s7 =	sadd.s32 $0x25080, s7;
	s12 =	simm.s32 $0x3400;
	s11 =	ssub.s32 s11, s28  }
0xd: {  	s15 =	sadd.s32 s29, s3;
	s31 =	sshrl.u32 s13, $0x3;
	s5 =	sadd.s32 s9, s5  }
0xe: {  	s9 =	sadd.s32 s30, s13;
	s10 =	sadd.s32 s8, s31;
	s13 =	sshrl.u32 @p0 s14, $0x3  }
0xf: {  	s14 =	sor.u32 @!p0 $0x1C01, s16;
	s15 =	sshrl.u32 @!p0 s15, $0x3;
	s9 =	sshrl.u32 s9, $0x3  }
0x10: {  	s16 =	simm.s32 $0x64;
	s5 =	sadd.s32 $0x3000, s5;
	s8 =	sadd.s32 s8, s9  }
0x11: {  	s9 =	sadd.s32 $0x25080, s10;
	s10 =	smax.u32 s11, $0x1;
	s11 =	simm.s32 $0x1  }
.LBB2_1:
0x12: {  	[tilespmem:s4], [sflag:$0x1] =	stream.linear.gather [hbm4b:s5+s4], $0x3200, $0x38;
	[tilespmem:$0x8F10] =	vst v63  }
0x13: {  	_ =	swait.ge [sflag:s11], $0x3200  }
0x14: {  	[sflag:s11] =	ssyncset.done $0x0  }
0x15: {  	[sflag:s11] =	ssyncadd.s32 $0xFFFFCE00  }
0x16: {  	[tilespmem:s12], [sflag:$0x1] =	stream.linear.gather [hbm4b:s1+s4], $0x3200, $0x38;
	[tilespmem:$0x8F10] =	vst v63  }
0x17: {  	_ =	swait.ge [sflag:s11], $0x3200  }
0x18: {  	[sflag:s11] =	ssyncset.done $0x0  }
0x19: {  	s18 =	simm.s32 @p0 $0x1FC1;
	[sflag:s11] =	ssyncadd.s32 $0xFFFFCE00  }
0x1a: {  	[spmem:s13], [sflag:s18] =	dma.local @p0 [hbm:s7], $0x2080  }
0x1b: {  	s18 =	simm.s32 @p0 $0x1  }
0x1c: {  	_ =	swait.ge @p0 [sflag:s18], $0x2080  }
0x1d: {  	[sflag:s18] =	ssyncset.done @p0 $0x0  }
0x1e: {  	[sflag:s18] =	ssyncadd.s32 @p0 $0xFFFFDF80;
	s18 =	simm.s32 @!p0 $0x1  }
0x1f: {  	[spmem:s15], [sflag:s14] =	dma.local @!p0 [hbm:s6], $0x2780  }
0x20: {  	_ =	swait.ge @!p0 [sflag:s18], $0x2780  }
0x21: {  	[sflag:s18] =	ssyncset.done @!p0 $0x0  }
0x22: {  	[sflag:s18] =	ssyncadd.s32 @!p0 $0xFFFFD880  }
0x23: {  	s31 =	simm.s32 $0x0;
	[bflag:$0x0] =	sbarrier.arrive $0xFFFF  }
0x24: {  	[spmem:s3] =	stream.indirect.scatter.add.f32 [tilespmem:s12], [sflag:$0x1], $0x10, s31, s16, $0xb8;
	[tilespmem:$0x8F10] =	vst v63  }
0x25: {  	_ =	swait.ge [sflag:s11], $0x640  }
0x26: {  	s18 =	simm.s32 $0x200;
	[sflag:s11] =	ssyncset.done $0x0  }
.LBB2_2:
0x27: {  	s19 =	sshra.s32 s18, $0x2;
	[sflag:s11] =	ssyncadd.s32 $0xFFFFF9C0;
	p1 =	sne.s32 s18, $0xC600  }
0x28: {  	[spmem:s3] =	stream.indirect.scatter.add.f32 [tilespmem:s12], [sflag:$0x1], $0x10, s19, s16, $0xb8;
	[tilespmem:$0x8F10] =	vst v63  }
.Ltmp0:
0x29: {  	_ = 	snop;
	(pc) =	sbr.rel @p1 .LBB2_2-.Ltmp0, $4  }
0x2a: {  	_ = 	snop  }
0x2b: {  	s18 =	sadd.s32 $0x200, s18  }
0x2c: {  	_ =	swait.ge [sflag:s11], $0x640  }
0x2d: {  	[sflag:s11] =	ssyncset.done $0x0  }
0x2e: {  	[sflag:s11] =	ssyncadd.s32 $0xFFFFF9C0  }
0x2f: {  	s18 =	simm.s32 @p0 $0x1FC1;
	[bflag:$0x0] =	sbarrier.arrive $0xFFFF  }
0x30: {  	[hbm:s9], [sflag:s18] =	dma.local @p0 [spmem:s13], $0x2080  }
0x31: {  	s18 =	simm.s32 @p0 $0x1  }
0x32: {  	s17 =	sadd.s32 $0x1, s17;
	_ =	swait.ge @p0 [sflag:s18], $0x2080  }
0x33: {  	p1 =	sne.s32 s17, s10;
	[sflag:s18] =	ssyncset.done @p0 $0x0  }
.Ltmp1:
0x34: {  	[sflag:s18] =	ssyncadd.s32 @p0 $0xFFFFDF80;
	s18 =	simm.s32 @!p0 $0x1;
	(pc) =	sbr.rel @p1 .LBB2_1-.Ltmp1, $4  }
0x35: {  	[hbm:s8], [sflag:s14] =	dma.local @!p0 [spmem:s15], $0x2780  }
0x36: {  	_ =	swait.ge @!p0 [sflag:s18], $0x2780  }
0x37: {  	[sflag:s18] =	ssyncset.done @!p0 $0x0  }
0x38: {  	[sflag:s18] =	ssyncadd.s32 @!p0 $0xFFFFD880  }
0x39: {  	_ =	sfence.sel $0x180000  }
0x3a: {  	[bflag:$0x0] =	sbarrier.arrive $0xFFFF  }
0x3b: {  	p0 =	sne.s32 s0, $0x0;
	_ =	strace $0x90000047  }
0x3c: {  	s0 =	sadd.s32 @!p0 $0x100000, s2;
	[bflag:$0x2] =	sbarrier.arrive $0xFFFF  }
0x3d: {  	[sflag:s0] =	ssyncadd.tile.s32 @!p0 $0x1;
	_ =	shalt  }
.Lfunc_end2:
_tile_overlayer_lowered:
.L_overlay_start_2:
0x3e: {  	(tag) =	ssettag $0x2  }
0x3f: {  	s0 =	rddreg [dreg:$0x0];
	s2 =	stileid.u32  }
0x40: {  	s1 =	rddreg [dreg:$0x1];
	p0 =	sne.s32 s2, $0x0  }
0x41: {  	s3 =	rddreg [dreg:$0x2];
	[bflag:$0x3] =	sbarrier.arrive $0xFFFF;
	s2 =	simm.s32 @!p0 $0x1C01  }
0x42: {  	[timem:s3], [sflag:s2] =	dma.local @!p0 [hbm:s0], s1  }
0x43: {  	s0 =	simm.s32 @!p0 $0x1  }
0x44: {  	_ =	swait.ge @!p0 [sflag:s0], s1  }
0x45: {  	s1 =	ssub.s32 @!p0 $0x0, s1;
	[sflag:s0] =	ssyncset.done @!p0 $0x0  }
0x46: {  	[sflag:s0] =	ssyncadd.s32 @!p0 s1  }
0x47: {  	[bflag:$0x3] =	sbarrier.arrive $0xFFFF  }
0x48: {  	_ =	shalt  }

</sc_bundles>
